<compile_context>
chip_gen: v7x
topology: tpu7x:2x2x1
jax: 0.10.2.dev20260603
libtpu: 0.0.44.dev20260713+nightly
codegen_flags: <defaults>
</compile_context>

<pallas_src>
import jax
import jax.numpy as jnp
from jax.experimental import pallas as pl
from jax.experimental.pallas import tpu as pltpu

_IMG_W = 1333.0
_IMG_H = 800.0
_NMS_THR = 0.1
_SCORE_THR = 0.05
_NC = 10000
_NP = 5000
_N = 15000
_B = 128
_NPAD = 15360
_NB = _NPAD // _B
_CT = 512
_NCT = _NPAD // _CT


def _prep_body(x1, y1, x2, y2, raw, mc, mp, out):
    x1v, y1v, x2v, y2v = x1[...], y1[...], x2[...], y2[...]
    raws = raw[...]
    mcv, mpv = mc[...], mp[...]
    ltx = jnp.maximum(0.0, x1v)
    lty = jnp.maximum(0.0, y1v)
    rbx = jnp.minimum(_IMG_W, x2v)
    rby = jnp.minimum(_IMG_H, y2v)
    wx = jnp.maximum(rbx - ltx, 0.0)
    wy = jnp.maximum(rby - lty, 0.0)
    inter = wx * wy
    area = jnp.maximum(x2v - x1v, 0.0) * jnp.maximum(y2v - y1v, 0.0)
    iof = inter / jnp.maximum(area, 1e-12)
    iof = jnp.where(iof < 0.3, 0.0, iof)
    sc_c = iof * raws
    sc_p = 1.0 / (1.0 + jnp.exp(-raws))
    score = mcv * sc_c + mpv * sc_p
    cx1 = jnp.minimum(jnp.maximum(x1v, 0.0), _IMG_W)
    cy1 = jnp.minimum(jnp.maximum(y1v, 0.0), _IMG_H)
    cx2 = jnp.minimum(jnp.maximum(x2v, 0.0), _IMG_W)
    cy2 = jnp.minimum(jnp.maximum(y2v, 0.0), _IMG_H)
    iscache = mcv > 0.0
    out[0:1, :] = jnp.where(iscache, cx1, x1v)
    out[1:2, :] = jnp.where(iscache, cy1, y1v)
    out[2:3, :] = jnp.where(iscache, cx2, x2v)
    out[3:4, :] = jnp.where(iscache, cy2, y2v)
    out[4:5, :] = score
    valid = score > _SCORE_THR
    out[5:6, :] = valid.astype(jnp.float32)
    out[6:7, :] = -jnp.where(valid, score, -jnp.inf)
    out[7:8, :] = jnp.zeros_like(score)


def _nms_body(bsc, x1r, y1r, x2r, y2r, scr, valr, outr, keep_s, area_s):
    x1v, y1v, x2v, y2v = x1r[...], y1r[...], x2r[...], y2r[...]
    area_s[...] = jnp.maximum(x2v - x1v, 0.0) * jnp.maximum(y2v - y1v, 0.0)
    keep_s[...] = valr[...]

    def blk(b, _):
        base = b * _B
        rsl = pl.ds(base, _B)
        bb = bsc[rsl, :]
        rx1, ry1 = bb[:, 0:1], bb[:, 1:2]
        rx2, ry2 = bb[:, 2:3], bb[:, 3:4]
        ra = jnp.maximum(rx2 - rx1, 0.0) * jnp.maximum(ry2 - ry1, 0.0)

        def iou_tile(csl):
            cx1 = x1r[0:1, csl]
            cy1 = y1r[0:1, csl]
            cx2 = x2r[0:1, csl]
            cy2 = y2r[0:1, csl]
            ltx = jnp.maximum(rx1, cx1)
            lty = jnp.maximum(ry1, cy1)
            rbx = jnp.minimum(rx2, cx2)
            rby = jnp.minimum(ry2, cy2)
            wx = jnp.maximum(rbx - ltx, 0.0)
            wy = jnp.maximum(rby - lty, 0.0)
            inter = wx * wy
            ca = area_s[0:1, csl]
            union = jnp.maximum(ra + ca - inter, 1e-12)
            return inter / union

        iou = iou_tile(rsl)
        row_i = jax.lax.broadcasted_iota(jnp.int32, (_B, _B), 0)
        col_i = jax.lax.broadcasted_iota(jnp.int32, (_B, _B), 1)
        s_ut = jnp.where((iou > _NMS_THR) & (row_i < col_i), 1.0, 0.0)
        kb0 = keep_s[0:1, rsl]

        def w_cond(c):
            return c[1]

        def w_body(c):
            kb, _ = c
            supp = jax.lax.dot_general(
                kb, s_ut, (((1,), (0,)), ((), ())),
                preferred_element_type=jnp.float32)
            nkb = jnp.where(supp > 0.5, 0.0, kb0)
            return nkb, jnp.any(nkb != kb)

        kb, _ = jax.lax.while_loop(w_cond, w_body, (kb0, jnp.bool_(True)))
        keep_s[0:1, rsl] = kb
        eye = jnp.where(row_i == col_i, 1.0, 0.0)
        kb_col = jax.lax.dot_general(
            eye, kb, (((1,), (1,)), ((), ())),
            preferred_element_type=jnp.float32)

        @pl.when(jnp.sum(kb) > 0.0)
        def _():
            def ct_body(t, _):
                cbase = t * _CT
                csl = pl.ds(cbase, _CT)
                kcol = keep_s[0:1, csl]
                s_x = jnp.where(
                    (iou_tile(csl) > _NMS_THR) & (kb_col > 0.5), 1.0, 0.0)
                supp = jnp.max(s_x, axis=0, keepdims=True)
                colid = cbase + jax.lax.broadcasted_iota(jnp.int32, (1, _CT), 1)
                later = colid >= base + _B
                keep_s[0:1, csl] = jnp.where((supp > 0.5) & later, 0.0, kcol)
                return 0

            jax.lax.fori_loop((base + _B) // _CT, _NCT, ct_body, 0)

        return 0

    jax.lax.fori_loop(0, _NB, blk, 0)

    k = keep_s[...]
    outr[0:1, :] = x1v * k
    outr[1:2, :] = y1v * k
    outr[2:3, :] = x2v * k
    outr[3:4, :] = y2v * k
    s = jnp.clip(scr[...], 1e-6, 1.0 - 1e-6)
    inv_sig = jnp.log(s) - jnp.log1p(-s)
    outr[4:5, :] = inv_sig * k
    outr[5:6, :] = k
    outr[6:8, :] = jnp.zeros((2, _NPAD), jnp.float32)


def kernel(boxes_cache, proposal_boxes, proposal_logits):
    boxes_cache = boxes_cache.astype(jnp.float32)
    proposal_boxes = proposal_boxes.astype(jnp.float32)
    proposal_logits = proposal_logits.astype(jnp.float32)
    npad = _NPAD - _N
    zpad = jnp.zeros((npad,), jnp.float32)

    def row(c, p):
        return jnp.concatenate([c, p, zpad])[None, :]

    x1 = row(boxes_cache[:, 0], proposal_boxes[:, 0])
    y1 = row(boxes_cache[:, 1], proposal_boxes[:, 1])
    x2 = row(boxes_cache[:, 2], proposal_boxes[:, 2])
    y2 = row(boxes_cache[:, 3], proposal_boxes[:, 3])
    raw = row(boxes_cache[:, 4], proposal_logits)
    mc = row(jnp.ones((_NC,), jnp.float32), jnp.zeros((_NP,), jnp.float32))
    mp = row(jnp.zeros((_NC,), jnp.float32), jnp.ones((_NP,), jnp.float32))

    prep = pl.pallas_call(
        _prep_body,
        out_shape=jax.ShapeDtypeStruct((8, _NPAD), jnp.float32),
    )(x1, y1, x2, y2, raw, mc, mp)

    order = jnp.argsort(prep[6])
    srt = prep[:, order]
    bsc = jnp.transpose(srt[0:4, :])

    outs = pl.pallas_call(
        _nms_body,
        out_shape=jax.ShapeDtypeStruct((8, _NPAD), jnp.float32),
        scratch_shapes=[
            pltpu.VMEM((1, _NPAD), jnp.float32),
            pltpu.VMEM((1, _NPAD), jnp.float32),
        ],
    )(bsc, srt[0:1], srt[1:2], srt[2:3], srt[3:4], srt[4:5], srt[5:6])

    inv_order = jnp.argsort(order)
    out_rows = outs[0:5, :]
    return jnp.transpose(out_rows[:, inv_order][:, :_N])

# --- scband reference (transcript-rebuilt; emitter-appended) ---
"""Pipeline reference for scband-boxes-cache-29351806501090 (READ-ONLY COPY).

The authoritative reference and input builder live on the scoring server;
editing this copy changes nothing except your own understanding.
"""

import jax, jax.numpy as jnp
import numpy as np

IMG_H, IMG_W = 800.0, 1333.0
NMS_THR = 0.1
SCORE_THR = 0.05
NUM_CACHE = 10000
NUM_PROP = 5000


def _make_boxes(key, n, w, h):
    k1, k2 = jax.random.split(key)
    xy1 = jax.random.uniform(k1, (n, 2)) * jnp.array([w * 0.8, h * 0.8], dtype=jnp.float32)
    wh = jax.random.uniform(k2, (n, 2)) * jnp.array([w * 0.3, h * 0.3], dtype=jnp.float32) + 1.0
    return jnp.concatenate([xy1, xy1 + wh], axis=1).astype(jnp.float32)


def setup_inputs(seed: int = 0):
    key = jax.random.key(seed)
    k1, k2, k3, k4 = jax.random.split(key, 4)
    cache_boxes = _make_boxes(k1, NUM_CACHE, IMG_W, IMG_H)
    cache_scores = jax.random.uniform(k2, (NUM_CACHE,), dtype=jnp.float32)
    boxes_cache = jnp.concatenate([cache_boxes, cache_scores[:, None]], axis=1)
    proposal_boxes = _make_boxes(k3, NUM_PROP, IMG_W, IMG_H)
    proposal_logits = jax.random.normal(k4, (NUM_PROP,), dtype=jnp.float32)
    return {"boxes_cache": boxes_cache, "proposal_boxes": proposal_boxes, "proposal_logits": proposal_logits}


def _pairwise_ioa(box, boxes):
    # intersection over area of `boxes` (detectron2 pairwise_ioa with a single query box)
    lt = jnp.maximum(box[:2], boxes[:, :2])
    rb = jnp.minimum(box[2:], boxes[:, 2:])
    wh = jnp.clip(rb - lt, 0.0)
    inter = wh[:, 0] * wh[:, 1]
    area = jnp.clip(boxes[:, 2] - boxes[:, 0], 0.0) * jnp.clip(boxes[:, 3] - boxes[:, 1], 0.0)
    return inter / jnp.maximum(area, 1e-12)


def _nms_keep(boxes, scores, valid, thr):
    # greedy NMS identical to torchvision.ops.nms restricted to `valid` boxes
    n = boxes.shape[0]
    order = jnp.argsort(-jnp.where(valid, scores, -jnp.inf))
    b = boxes[order]
    areas = jnp.clip(b[:, 2] - b[:, 0], 0.0) * jnp.clip(b[:, 3] - b[:, 1], 0.0)
    keep0 = valid[order]
    idx = jnp.arange(n)

    def body(i, keep):
        lt = jnp.maximum(b[i, :2], b[:, :2])
        rb = jnp.minimum(b[i, 2:], b[:, 2:])
        wh = jnp.clip(rb - lt, 0.0)
        inter = wh[:, 0] * wh[:, 1]
        iou = inter / jnp.maximum(areas[i] + areas - inter, 1e-12)
        suppress = (iou > thr) & (idx > i) & keep[i]
        return keep & (~suppress)

    keep_sorted = jax.lax.fori_loop(0, n, body, keep0)
    keep = jnp.zeros(n, dtype=bool).at[order].set(keep_sorted)
    return keep


def reference(boxes_cache, proposal_boxes, proposal_logits):
    cached = boxes_cache[:, :4]
    img_box = jnp.array([0.0, 0.0, IMG_W, IMG_H], dtype=jnp.float32)
    iof = _pairwise_ioa(img_box, cached)
    iof = jnp.where(iof < 0.3, 0.0, iof)
    cached_scores = iof * boxes_cache[:, 4]
    cached = jnp.stack([
        jnp.clip(cached[:, 0], 0.0, IMG_W), jnp.clip(cached[:, 1], 0.0, IMG_H),
        jnp.clip(cached[:, 2], 0.0, IMG_W), jnp.clip(cached[:, 3], 0.0, IMG_H)], axis=1)
    prop_scores = jax.nn.sigmoid(proposal_logits)
    merged_boxes = jnp.concatenate([cached, proposal_boxes], axis=0)
    merged_scores = jnp.concatenate([cached_scores, prop_scores], axis=0)
    valid = merged_scores > SCORE_THR
    keep = jax.lax.stop_gradient(_nms_keep(merged_boxes, merged_scores, valid, NMS_THR))
    keepf = keep.astype(merged_boxes.dtype)
    s = jnp.clip(merged_scores, 1e-6, 1.0 - 1e-6)
    inv_sig = jnp.log(s) - jnp.log1p(-s)  # inverse_sigmoid of kept scores
    out = jnp.concatenate([merged_boxes * keepf[:, None], (inv_sig * keepf)[:, None]], axis=1)
    return out

if __name__ == "__main__":
    import jax
    _d = setup_inputs()
    print(jax.jit(kernel)(*tuple(_d.values())))

</pallas_src>

<mosaic_0001>
module attributes {stable_mosaic.version = 14 : i64} {
  func.func @_prep_body(%arg0: memref<1x15360xf32, #tpu.memory_space<vmem>>, %arg1: memref<1x15360xf32, #tpu.memory_space<vmem>>, %arg2: memref<1x15360xf32, #tpu.memory_space<vmem>>, %arg3: memref<1x15360xf32, #tpu.memory_space<vmem>>, %arg4: memref<1x15360xf32, #tpu.memory_space<vmem>>, %arg5: memref<1x15360xf32, #tpu.memory_space<vmem>>, %arg6: memref<1x15360xf32, #tpu.memory_space<vmem>>, %arg7: memref<8x15360xf32, #tpu.memory_space<vmem>>) attributes {dimension_semantics = [], scalar_prefetch = 0 : i64, scratch_operands = 0 : i64, tpu.core_type = #tpu.core_type<tc>} {
    %get3A = arith.constant 0 : index
    %get3A_0 = arith.constant 0 : index
    %get3A_1 = vector.load %arg0[%get3A, %get3A_0] : memref<1x15360xf32, #tpu.memory_space<vmem>>, vector<1x15360xf32>
    %get3A_2 = arith.constant 0 : index
    %get3A_3 = arith.constant 0 : index
    %get3A_4 = vector.load %arg1[%get3A_2, %get3A_3] : memref<1x15360xf32, #tpu.memory_space<vmem>>, vector<1x15360xf32>
    %get3A_5 = arith.constant 0 : index
    %get3A_6 = arith.constant 0 : index
    %get3A_7 = vector.load %arg2[%get3A_5, %get3A_6] : memref<1x15360xf32, #tpu.memory_space<vmem>>, vector<1x15360xf32>
    %get3A_8 = arith.constant 0 : index
    %get3A_9 = arith.constant 0 : index
    %get3A_10 = vector.load %arg3[%get3A_8, %get3A_9] : memref<1x15360xf32, #tpu.memory_space<vmem>>, vector<1x15360xf32>
    %get3A_11 = arith.constant 0 : index
    %get3A_12 = arith.constant 0 : index
    %get3A_13 = vector.load %arg4[%get3A_11, %get3A_12] : memref<1x15360xf32, #tpu.memory_space<vmem>>, vector<1x15360xf32>
    %get3A_14 = arith.constant 0 : index
    %get3A_15 = arith.constant 0 : index
    %get3A_16 = vector.load %arg5[%get3A_14, %get3A_15] : memref<1x15360xf32, #tpu.memory_space<vmem>>, vector<1x15360xf32>
    %get3A_17 = arith.constant 0 : index
    %get3A_18 = arith.constant 0 : index
    %get3A_19 = vector.load %arg6[%get3A_17, %get3A_18] : memref<1x15360xf32, #tpu.memory_space<vmem>>, vector<1x15360xf32>
    %max3A = arith.constant 0.000000e+00 : f32
    %max3A_20 = vector.broadcast %max3A : f32 to vector<1x15360xf32>
    %max3A_21 = arith.maximumf %max3A_20, %get3A_1 : vector<1x15360xf32>
    %max3A_22 = arith.constant 0.000000e+00 : f32
    %max3A_23 = vector.broadcast %max3A_22 : f32 to vector<1x15360xf32>
    %max3A_24 = arith.maximumf %max3A_23, %get3A_4 : vector<1x15360xf32>
    %min3A = arith.constant 1.333000e+03 : f32
    %min3A_25 = vector.broadcast %min3A : f32 to vector<1x15360xf32>
    %min3A_26 = arith.minimumf %min3A_25, %get3A_7 : vector<1x15360xf32>
    %min3A_27 = arith.constant 8.000000e+02 : f32
    %min3A_28 = vector.broadcast %min3A_27 : f32 to vector<1x15360xf32>
    %min3A_29 = arith.minimumf %min3A_28, %get3A_10 : vector<1x15360xf32>
    %sub3A = arith.subf %min3A_26, %max3A_21 : vector<1x15360xf32>
    %max3A_30 = arith.constant 0.000000e+00 : f32
    %max3A_31 = vector.broadcast %max3A_30 : f32 to vector<1x15360xf32>
    %max3A_32 = arith.maximumf %sub3A, %max3A_31 : vector<1x15360xf32>
    %sub3A_33 = arith.subf %min3A_29, %max3A_24 : vector<1x15360xf32>
    %max3A_34 = arith.constant 0.000000e+00 : f32
    %max3A_35 = vector.broadcast %max3A_34 : f32 to vector<1x15360xf32>
    %max3A_36 = arith.maximumf %sub3A_33, %max3A_35 : vector<1x15360xf32>
    %mul3A = arith.mulf %max3A_32, %max3A_36 : vector<1x15360xf32>
    %sub3A_37 = arith.subf %get3A_7, %get3A_1 : vector<1x15360xf32>
    %max3A_38 = arith.constant 0.000000e+00 : f32
    %max3A_39 = vector.broadcast %max3A_38 : f32 to vector<1x15360xf32>
    %max3A_40 = arith.maximumf %sub3A_37, %max3A_39 : vector<1x15360xf32>
    %sub3A_41 = arith.subf %get3A_10, %get3A_4 : vector<1x15360xf32>
    %max3A_42 = arith.constant 0.000000e+00 : f32
    %max3A_43 = vector.broadcast %max3A_42 : f32 to vector<1x15360xf32>
    %max3A_44 = arith.maximumf %sub3A_41, %max3A_43 : vector<1x15360xf32>
    %mul3A_45 = arith.mulf %max3A_40, %max3A_44 : vector<1x15360xf32>
    %max3A_46 = arith.constant 9.99999996E-13 : f32
    %max3A_47 = vector.broadcast %max3A_46 : f32 to vector<1x15360xf32>
    %max3A_48 = arith.maximumf %mul3A_45, %max3A_47 : vector<1x15360xf32>
    %div3A = arith.divf %mul3A, %max3A_48 : vector<1x15360xf32>
    %lt3A = arith.constant 3.000000e-01 : f32
    %lt3A_49 = vector.broadcast %lt3A : f32 to vector<1x15360xf32>
    %lt3A_50 = arith.cmpf olt, %div3A, %lt3A_49 : vector<1x15360xf32>
    %jit3A = arith.constant 0.000000e+00 : f32
    %broadcast_in_dim3A = vector.broadcast %jit3A : f32 to vector<1x15360xf32>
    %select_n3A = arith.select %lt3A_50, %broadcast_in_dim3A, %div3A : vector<1x15360xi1>, vector<1x15360xf32>
    %mul3A_51 = arith.mulf %select_n3A, %get3A_13 : vector<1x15360xf32>
    %neg3A = arith.constant 0.000000e+00 : f32
    %neg3A_52 = vector.broadcast %neg3A : f32 to vector<1x15360xf32>
    %neg3A_53 = arith.subf %neg3A_52, %get3A_13 : vector<1x15360xf32>
    %exp3A = math.exp %neg3A_53 : vector<1x15360xf32>
    %add3A = arith.constant 1.000000e+00 : f32
    %add3A_54 = vector.broadcast %add3A : f32 to vector<1x15360xf32>
    %add3A_55 = arith.addf %add3A_54, %exp3A : vector<1x15360xf32>
    %div3A_56 = arith.constant 1.000000e+00 : f32
    %div3A_57 = vector.broadcast %div3A_56 : f32 to vector<1x15360xf32>
    %div3A_58 = arith.divf %div3A_57, %add3A_55 : vector<1x15360xf32>
    %mul3A_59 = arith.mulf %get3A_16, %mul3A_51 : vector<1x15360xf32>
    %mul3A_60 = arith.mulf %get3A_19, %div3A_58 : vector<1x15360xf32>
    %add3A_61 = arith.addf %mul3A_59, %mul3A_60 : vector<1x15360xf32>
    %max3A_62 = arith.constant 0.000000e+00 : f32
    %max3A_63 = vector.broadcast %max3A_62 : f32 to vector<1x15360xf32>
    %max3A_64 = arith.maximumf %get3A_1, %max3A_63 : vector<1x15360xf32>
    %min3A_65 = arith.constant 1.333000e+03 : f32
    %min3A_66 = vector.broadcast %min3A_65 : f32 to vector<1x15360xf32>
    %min3A_67 = arith.minimumf %max3A_64, %min3A_66 : vector<1x15360xf32>
    %max3A_68 = arith.constant 0.000000e+00 : f32
    %max3A_69 = vector.broadcast %max3A_68 : f32 to vector<1x15360xf32>
    %max3A_70 = arith.maximumf %get3A_4, %max3A_69 : vector<1x15360xf32>
    %min3A_71 = arith.constant 8.000000e+02 : f32
    %min3A_72 = vector.broadcast %min3A_71 : f32 to vector<1x15360xf32>
    %min3A_73 = arith.minimumf %max3A_70, %min3A_72 : vector<1x15360xf32>
    %max3A_74 = arith.constant 0.000000e+00 : f32
    %max3A_75 = vector.broadcast %max3A_74 : f32 to vector<1x15360xf32>
    %max3A_76 = arith.maximumf %get3A_7, %max3A_75 : vector<1x15360xf32>
    %min3A_77 = arith.constant 1.333000e+03 : f32
    %min3A_78 = vector.broadcast %min3A_77 : f32 to vector<1x15360xf32>
    %min3A_79 = arith.minimumf %max3A_76, %min3A_78 : vector<1x15360xf32>
    %max3A_80 = arith.constant 0.000000e+00 : f32
    %max3A_81 = vector.broadcast %max3A_80 : f32 to vector<1x15360xf32>
    %max3A_82 = arith.maximumf %get3A_10, %max3A_81 : vector<1x15360xf32>
    %min3A_83 = arith.constant 8.000000e+02 : f32
    %min3A_84 = vector.broadcast %min3A_83 : f32 to vector<1x15360xf32>
    %min3A_85 = arith.minimumf %max3A_82, %min3A_84 : vector<1x15360xf32>
    %gt3A = arith.constant 0.000000e+00 : f32
    %gt3A_86 = vector.broadcast %gt3A : f32 to vector<1x15360xf32>
    %gt3A_87 = arith.cmpf ogt, %get3A_16, %gt3A_86 : vector<1x15360xf32>
    %select_n3A_88 = arith.select %gt3A_87, %min3A_67, %get3A_1 : vector<1x15360xi1>, vector<1x15360xf32>
    %swap3A = arith.constant 0 : index
    %swap3A_89 = arith.constant 0 : index
    %swap3A_90 = vector.load %arg7[%swap3A, %swap3A_89] : memref<8x15360xf32, #tpu.memory_space<vmem>>, vector<1x15360xf32>
    tpu.vector_store %arg7[%swap3A, %swap3A_89], %select_n3A_88 {strides = array<i32>} : memref<8x15360xf32, #tpu.memory_space<vmem>>, vector<1x15360xf32>,
    %select_n3A_91 = arith.select %gt3A_87, %min3A_73, %get3A_4 : vector<1x15360xi1>, vector<1x15360xf32>
    %swap3A_92 = arith.constant 1 : index
    %swap3A_93 = arith.constant 0 : index
    %swap3A_94 = vector.load %arg7[%swap3A_92, %swap3A_93] : memref<8x15360xf32, #tpu.memory_space<vmem>>, vector<1x15360xf32>
    tpu.vector_store %arg7[%swap3A_92, %swap3A_93], %select_n3A_91 {strides = array<i32>} : memref<8x15360xf32, #tpu.memory_space<vmem>>, vector<1x15360xf32>,
    %select_n3A_95 = arith.select %gt3A_87, %min3A_79, %get3A_7 : vector<1x15360xi1>, vector<1x15360xf32>
    %swap3A_96 = arith.constant 2 : index
    %swap3A_97 = arith.constant 0 : index
    %swap3A_98 = vector.load %arg7[%swap3A_96, %swap3A_97] : memref<8x15360xf32, #tpu.memory_space<vmem>>, vector<1x15360xf32>
    tpu.vector_store %arg7[%swap3A_96, %swap3A_97], %select_n3A_95 {strides = array<i32>} : memref<8x15360xf32, #tpu.memory_space<vmem>>, vector<1x15360xf32>,
    %select_n3A_99 = arith.select %gt3A_87, %min3A_85, %get3A_10 : vector<1x15360xi1>, vector<1x15360xf32>
    %swap3A_100 = arith.constant 3 : index
    %swap3A_101 = arith.constant 0 : index
    %swap3A_102 = vector.load %arg7[%swap3A_100, %swap3A_101] : memref<8x15360xf32, #tpu.memory_space<vmem>>, vector<1x15360xf32>
    tpu.vector_store %arg7[%swap3A_100, %swap3A_101], %select_n3A_99 {strides = array<i32>} : memref<8x15360xf32, #tpu.memory_space<vmem>>, vector<1x15360xf32>,
    %swap3A_103 = arith.constant 4 : index
    %swap3A_104 = arith.constant 0 : index
    %swap3A_105 = vector.load %arg7[%swap3A_103, %swap3A_104] : memref<8x15360xf32, #tpu.memory_space<vmem>>, vector<1x15360xf32>
    tpu.vector_store %arg7[%swap3A_103, %swap3A_104], %add3A_61 {strides = array<i32>} : memref<8x15360xf32, #tpu.memory_space<vmem>>, vector<1x15360xf32>,
    %gt3A_106 = arith.constant 5.000000e-02 : f32
    %gt3A_107 = vector.broadcast %gt3A_106 : f32 to vector<1x15360xf32>
    %gt3A_108 = arith.cmpf ogt, %add3A_61, %gt3A_107 : vector<1x15360xf32>
    %convert_element_type3A = arith.extui %gt3A_108 : vector<1x15360xi1> to vector<1x15360xi32>
    %convert_element_type3A_109 = arith.sitofp %convert_element_type3A : vector<1x15360xi32> to vector<1x15360xf32>
    %swap3A_110 = arith.constant 5 : index
    %swap3A_111 = arith.constant 0 : index
    %swap3A_112 = vector.load %arg7[%swap3A_110, %swap3A_111] : memref<8x15360xf32, #tpu.memory_space<vmem>>, vector<1x15360xf32>
    tpu.vector_store %arg7[%swap3A_110, %swap3A_111], %convert_element_type3A_109 {strides = array<i32>} : memref<8x15360xf32, #tpu.memory_space<vmem>>, vector<1x15360xf32>,
    %jit3A_113 = arith.constant 0xFF800000 : f32
    %broadcast_in_dim3A_114 = vector.broadcast %jit3A_113 : f32 to vector<1x15360xf32>
    %select_n3A_115 = arith.select %gt3A_108, %add3A_61, %broadcast_in_dim3A_114 : vector<1x15360xi1>, vector<1x15360xf32>
    %neg3A_116 = arith.constant 0.000000e+00 : f32
    %neg3A_117 = vector.broadcast %neg3A_116 : f32 to vector<1x15360xf32>
    %neg3A_118 = arith.subf %neg3A_117, %select_n3A_115 : vector<1x15360xf32>
    %swap3A_119 = arith.constant 6 : index
    %swap3A_120 = arith.constant 0 : index
    %swap3A_121 = vector.load %arg7[%swap3A_119, %swap3A_120] : memref<8x15360xf32, #tpu.memory_space<vmem>>, vector<1x15360xf32>
    tpu.vector_store %arg7[%swap3A_119, %swap3A_120], %neg3A_118 {strides = array<i32>} : memref<8x15360xf32, #tpu.memory_space<vmem>>, vector<1x15360xf32>,
    %broadcast_in_dim3A_122 = arith.constant 0.000000e+00 : f32
    %broadcast_in_dim3A_123 = vector.broadcast %broadcast_in_dim3A_122 : f32 to vector<1x15360xf32>
    %swap3A_124 = arith.constant 7 : index
    %swap3A_125 = arith.constant 0 : index
    %swap3A_126 = vector.load %arg7[%swap3A_124, %swap3A_125] : memref<8x15360xf32, #tpu.memory_space<vmem>>, vector<1x15360xf32>
    tpu.vector_store %arg7[%swap3A_124, %swap3A_125], %broadcast_in_dim3A_123 {strides = array<i32>} : memref<8x15360xf32, #tpu.memory_space<vmem>>, vector<1x15360xf32>,
    return
  }
}

module attributes {stable_mosaic.version = 14 : i64} {
  func.func @_nms_body(%arg0: memref<15360x4xf32, #tpu.memory_space<vmem>>, %arg1: memref<1x15360xf32, #tpu.memory_space<vmem>>, %arg2: memref<1x15360xf32, #tpu.memory_space<vmem>>, %arg3: memref<1x15360xf32, #tpu.memory_space<vmem>>, %arg4: memref<1x15360xf32, #tpu.memory_space<vmem>>, %arg5: memref<1x15360xf32, #tpu.memory_space<vmem>>, %arg6: memref<1x15360xf32, #tpu.memory_space<vmem>>, %arg7: memref<8x15360xf32, #tpu.memory_space<vmem>>, %arg8: memref<1x15360xf32, #tpu.memory_space<vmem>>, %arg9: memref<1x15360xf32, #tpu.memory_space<vmem>>) attributes {dimension_semantics = [], scalar_prefetch = 0 : i64, scratch_operands = 2 : i64, tpu.core_type = #tpu.core_type<tc>} {
    %get3A = arith.constant 0 : index
    %get3A_0 = arith.constant 0 : index
    %get3A_1 = vector.load %arg1[%get3A, %get3A_0] : memref<1x15360xf32, #tpu.memory_space<vmem>>, vector<1x15360xf32>
    %get3A_2 = arith.constant 0 : index
    %get3A_3 = arith.constant 0 : index
    %get3A_4 = vector.load %arg2[%get3A_2, %get3A_3] : memref<1x15360xf32, #tpu.memory_space<vmem>>, vector<1x15360xf32>
    %get3A_5 = arith.constant 0 : index
    %get3A_6 = arith.constant 0 : index
    %get3A_7 = vector.load %arg3[%get3A_5, %get3A_6] : memref<1x15360xf32, #tpu.memory_space<vmem>>, vector<1x15360xf32>
    %get3A_8 = arith.constant 0 : index
    %get3A_9 = arith.constant 0 : index
    %get3A_10 = vector.load %arg4[%get3A_8, %get3A_9] : memref<1x15360xf32, #tpu.memory_space<vmem>>, vector<1x15360xf32>
    %sub3A = arith.subf %get3A_7, %get3A_1 : vector<1x15360xf32>
    %max3A = arith.constant 0.000000e+00 : f32
    %max3A_11 = vector.broadcast %max3A : f32 to vector<1x15360xf32>
    %max3A_12 = arith.maximumf %sub3A, %max3A_11 : vector<1x15360xf32>
    %sub3A_13 = arith.subf %get3A_10, %get3A_4 : vector<1x15360xf32>
    %max3A_14 = arith.constant 0.000000e+00 : f32
    %max3A_15 = vector.broadcast %max3A_14 : f32 to vector<1x15360xf32>
    %max3A_16 = arith.maximumf %sub3A_13, %max3A_15 : vector<1x15360xf32>
    %mul3A = arith.mulf %max3A_12, %max3A_16 : vector<1x15360xf32>
    %swap3A = arith.constant 0 : index
    %swap3A_17 = arith.constant 0 : index
    %swap3A_18 = vector.load %arg9[%swap3A, %swap3A_17] : memref<1x15360xf32, #tpu.memory_space<vmem>>, vector<1x15360xf32>
    tpu.vector_store %arg9[%swap3A, %swap3A_17], %mul3A {strides = array<i32>} : memref<1x15360xf32, #tpu.memory_space<vmem>>, vector<1x15360xf32>,
    %get3A_19 = arith.constant 0 : index
    %get3A_20 = arith.constant 0 : index
    %get3A_21 = vector.load %arg6[%get3A_19, %get3A_20] : memref<1x15360xf32, #tpu.memory_space<vmem>>, vector<1x15360xf32>
    %swap3A_22 = arith.constant 0 : index
    %swap3A_23 = arith.constant 0 : index
    %swap3A_24 = vector.load %arg8[%swap3A_22, %swap3A_23] : memref<1x15360xf32, #tpu.memory_space<vmem>>, vector<1x15360xf32>
    tpu.vector_store %arg8[%swap3A_22, %swap3A_23], %get3A_21 {strides = array<i32>} : memref<1x15360xf32, #tpu.memory_space<vmem>>, vector<1x15360xf32>,
    %scan3A = arith.constant 0 : i32
    %scan3A_25 = arith.constant 120 : i32
    %scan3A_26 = arith.addi %scan3A, %scan3A_25 : i32
    %scan3A_27 = arith.constant 1 : i32
    scf.for %scan3A_69 = %scan3A to %scan3A_26 step %scan3A_27  : i32 {
      %mul3A_70 = arith.constant 128 : i32
      %mul3A_71 = arith.muli %scan3A_69, %mul3A_70 : i32
      %get3A_72 = arith.index_cast %mul3A_71 : i32 to index
      %get3A_73 = arith.constant 0 : index
      %get3A_74 = vector.load %arg0[%get3A_72, %get3A_73] : memref<15360x4xf32, #tpu.memory_space<vmem>>, vector<128x4xf32>
      %slice3A = vector.extract_strided_slice %get3A_74 {offsets = [0, 0], sizes = [128, 1], strides = [1, 1]} : vector<128x4xf32> to vector<128x1xf32>
      %slice3A_75 = vector.extract_strided_slice %get3A_74 {offsets = [0, 1], sizes = [128, 1], strides = [1, 1]} : vector<128x4xf32> to vector<128x1xf32>
      %slice3A_76 = vector.extract_strided_slice %get3A_74 {offsets = [0, 2], sizes = [128, 1], strides = [1, 1]} : vector<128x4xf32> to vector<128x1xf32>
      %slice3A_77 = vector.extract_strided_slice %get3A_74 {offsets = [0, 3], sizes = [128, 1], strides = [1, 1]} : vector<128x4xf32> to vector<128x1xf32>
      %sub3A_78 = arith.subf %slice3A_76, %slice3A : vector<128x1xf32>
      %max3A_79 = arith.constant 0.000000e+00 : f32
      %max3A_80 = vector.broadcast %max3A_79 : f32 to vector<128x1xf32>
      %max3A_81 = arith.maximumf %sub3A_78, %max3A_80 : vector<128x1xf32>
      %sub3A_82 = arith.subf %slice3A_77, %slice3A_75 : vector<128x1xf32>
      %max3A_83 = arith.constant 0.000000e+00 : f32
      %max3A_84 = vector.broadcast %max3A_83 : f32 to vector<128x1xf32>
      %max3A_85 = arith.maximumf %sub3A_82, %max3A_84 : vector<128x1xf32>
      %mul3A_86 = arith.mulf %max3A_81, %max3A_85 : vector<128x1xf32>
      %get3A_87 = arith.constant 0 : index
      %get3A_88 = arith.index_cast %mul3A_71 : i32 to index
      %get3A_89 = vector.load %arg1[%get3A_87, %get3A_88] : memref<1x15360xf32, #tpu.memory_space<vmem>>, vector<1x128xf32>
      %get3A_90 = arith.constant 0 : index
      %get3A_91 = arith.index_cast %mul3A_71 : i32 to index
      %get3A_92 = vector.load %arg2[%get3A_90, %get3A_91] : memref<1x15360xf32, #tpu.memory_space<vmem>>, vector<1x128xf32>
      %get3A_93 = arith.constant 0 : index
      %get3A_94 = arith.index_cast %mul3A_71 : i32 to index
      %get3A_95 = vector.load %arg3[%get3A_93, %get3A_94] : memref<1x15360xf32, #tpu.memory_space<vmem>>, vector<1x128xf32>
      %get3A_96 = arith.constant 0 : index
      %get3A_97 = arith.index_cast %mul3A_71 : i32 to index
      %get3A_98 = vector.load %arg4[%get3A_96, %get3A_97] : memref<1x15360xf32, #tpu.memory_space<vmem>>, vector<1x128xf32>
      %max3A_99 = vector.broadcast %slice3A : vector<128x1xf32> to vector<128x128xf32>
      %max3A_100 = vector.broadcast %get3A_89 : vector<1x128xf32> to vector<128x128xf32>
      %max3A_101 = arith.maximumf %max3A_99, %max3A_100 : vector<128x128xf32>
      %max3A_102 = vector.broadcast %slice3A_75 : vector<128x1xf32> to vector<128x128xf32>
      %max3A_103 = vector.broadcast %get3A_92 : vector<1x128xf32> to vector<128x128xf32>
      %max3A_104 = arith.maximumf %max3A_102, %max3A_103 : vector<128x128xf32>
      %min3A_105 = vector.broadcast %slice3A_76 : vector<128x1xf32> to vector<128x128xf32>
      %min3A_106 = vector.broadcast %get3A_95 : vector<1x128xf32> to vector<128x128xf32>
      %min3A_107 = arith.minimumf %min3A_105, %min3A_106 : vector<128x128xf32>
      %min3A_108 = vector.broadcast %slice3A_77 : vector<128x1xf32> to vector<128x128xf32>
      %min3A_109 = vector.broadcast %get3A_98 : vector<1x128xf32> to vector<128x128xf32>
      %min3A_110 = arith.minimumf %min3A_108, %min3A_109 : vector<128x128xf32>
      %sub3A_111 = arith.subf %min3A_107, %max3A_101 : vector<128x128xf32>
      %max3A_112 = arith.constant 0.000000e+00 : f32
      %max3A_113 = vector.broadcast %max3A_112 : f32 to vector<128x128xf32>
      %max3A_114 = arith.maximumf %sub3A_111, %max3A_113 : vector<128x128xf32>
      %sub3A_115 = arith.subf %min3A_110, %max3A_104 : vector<128x128xf32>
      %max3A_116 = arith.constant 0.000000e+00 : f32
      %max3A_117 = vector.broadcast %max3A_116 : f32 to vector<128x128xf32>
      %max3A_118 = arith.maximumf %sub3A_115, %max3A_117 : vector<128x128xf32>
      %mul3A_119 = arith.mulf %max3A_114, %max3A_118 : vector<128x128xf32>
      %get3A_120 = arith.constant 0 : index
      %get3A_121 = arith.index_cast %mul3A_71 : i32 to index
      %get3A_122 = vector.load %arg9[%get3A_120, %get3A_121] : memref<1x15360xf32, #tpu.memory_space<vmem>>, vector<1x128xf32>
      %add3A = vector.broadcast %mul3A_86 : vector<128x1xf32> to vector<128x128xf32>
      %add3A_123 = vector.broadcast %get3A_122 : vector<1x128xf32> to vector<128x128xf32>
      %add3A_124 = arith.addf %add3A, %add3A_123 : vector<128x128xf32>
      %sub3A_125 = arith.subf %add3A_124, %mul3A_119 : vector<128x128xf32>
      %max3A_126 = arith.constant 9.99999996E-13 : f32
      %max3A_127 = vector.broadcast %max3A_126 : f32 to vector<128x128xf32>
      %max3A_128 = arith.maximumf %sub3A_125, %max3A_127 : vector<128x128xf32>
      %div3A = arith.divf %mul3A_119, %max3A_128 : vector<128x128xf32>
      %iota3A = tpu.iota {dimensions = array<i32: 0>} : vector<128x128xi32>
      %iota3A_129 = tpu.iota {dimensions = array<i32: 1>} : vector<128x128xi32>
      %gt3A = arith.constant 1.000000e-01 : f32
      %gt3A_130 = vector.broadcast %gt3A : f32 to vector<128x128xf32>
      %gt3A_131 = arith.cmpf ogt, %div3A, %gt3A_130 : vector<128x128xf32>
      %lt3A = arith.cmpi slt, %iota3A, %iota3A_129 : vector<128x128xi32>
      %and3A = arith.andi %gt3A_131, %lt3A : vector<128x128xi1>
      %jit3A_132 = arith.constant 1.000000e+00 : f32
      %jit3A_133 = arith.constant 0.000000e+00 : f32
      %broadcast_in_dim3A_134 = vector.broadcast %jit3A_132 : f32 to vector<128x128xf32>
      %broadcast_in_dim3A_135 = vector.broadcast %jit3A_133 : f32 to vector<128x128xf32>
      %select_n3A = arith.select %and3A, %broadcast_in_dim3A_134, %broadcast_in_dim3A_135 : vector<128x128xi1>, vector<128x128xf32>
      %get3A_136 = arith.constant 0 : index
      %get3A_137 = arith.index_cast %mul3A_71 : i32 to index
      %get3A_138 = vector.load %arg8[%get3A_136, %get3A_137] : memref<1x15360xf32, #tpu.memory_space<vmem>>, vector<1x128xf32>
      %while3A = arith.constant true
      %while3A_139:2 = scf.while (%while3A_156 = %get3A_138, %while3A_157 = %while3A) : (vector<1x128xf32>, i1) -> (vector<1x128xf32>, i1) {
        scf.condition(%while3A_157) %while3A_156, %while3A_157 : vector<1x128xf32>, i1
      } do {
      ^bb0(%while3A_156: vector<1x128xf32>, %while3A_157: i1):
        %dot_general3A_158 = arith.constant dense<0.000000e+00> : vector<1x128xf32>
        %dot_general3A_159 = tpu.matmul %while3A_156, %select_n3A, %dot_general3A_158 {dimension_numbers = #tpu.dot_dimension_numbers<[1], [0], [0], [1], [0, 0, 1, 1], [], []>, transpose_lhs_hint = false} : vector<1x128xf32>, vector<128x128xf32>, vector<1x128xf32> -> vector<1x128xf32>
        %gt3A_160 = arith.constant 5.000000e-01 : f32
        %gt3A_161 = vector.broadcast %gt3A_160 : f32 to vector<1x128xf32>
        %gt3A_162 = arith.cmpf ogt, %dot_general3A_159, %gt3A_161 : vector<1x128xf32>
        %jit3A_163 = arith.constant 0.000000e+00 : f32
        %broadcast_in_dim3A_164 = vector.broadcast %jit3A_163 : f32 to vector<1x128xf32>
        %select_n3A_165 = arith.select %gt3A_162, %broadcast_in_dim3A_164, %get3A_138 : vector<1x128xi1>, vector<1x128xf32>
        %ne3A = arith.cmpf one, %select_n3A_165, %while3A_156 : vector<1x128xf32>
        %reduce_or3A = arith.constant 1.000000e+00 : f32
        %reduce_or3A_166 = arith.constant 0.000000e+00 : f32
        %reduce_or3A_167 = vector.broadcast %reduce_or3A : f32 to vector<1x128xf32>
        %reduce_or3A_168 = vector.broadcast %reduce_or3A_166 : f32 to vector<1x128xf32>
        %reduce_or3A_169 = arith.select %ne3A, %reduce_or3A_167, %reduce_or3A_168 : vector<1x128xi1>, vector<1x128xf32>
        %reduce_or3A_170 = vector.shape_cast %reduce_or3A_169 : vector<1x128xf32> to vector<1x1x128xf32>
        %reduce_or3A_171 = arith.constant dense<0xFF800000> : vector<1xf32>
        %reduce_or3A_172 = vector.multi_reduction <maximumf>, %reduce_or3A_170, %reduce_or3A_171 [1, 2] : vector<1x1x128xf32> to vector<1xf32>
        %reduce_or3A_173 = vector.shape_cast %reduce_or3A_172 : vector<1xf32> to vector<1x1x1xf32>
        %reduce_or3A_174 = vector.extract %reduce_or3A_173[0, 0, 0] : f32 from vector<1x1x1xf32>
        %reduce_or3A_175 = arith.constant 0.000000e+00 : f32
        %reduce_or3A_176 = arith.cmpf ogt, %reduce_or3A_174, %reduce_or3A_175 : f32
        scf.yield %select_n3A_165, %reduce_or3A_176 : vector<1x128xf32>, i1
      }
      %swap3A_140 = arith.constant 0 : index
      %swap3A_141 = arith.index_cast %mul3A_71 : i32 to index
      %swap3A_142 = vector.load %arg8[%swap3A_140, %swap3A_141] : memref<1x15360xf32, #tpu.memory_space<vmem>>, vector<1x128xf32>
      tpu.vector_store %arg8[%swap3A_140, %swap3A_141], %while3A_139#0 {strides = array<i32>} : memref<1x15360xf32, #tpu.memory_space<vmem>>, vector<1x128xf32>,
      %eq3A = arith.cmpi eq, %iota3A, %iota3A_129 : vector<128x128xi32>
      %jit3A_143 = arith.constant 1.000000e+00 : f32
      %jit3A_144 = arith.constant 0.000000e+00 : f32
      %broadcast_in_dim3A_145 = vector.broadcast %jit3A_143 : f32 to vector<128x128xf32>
      %broadcast_in_dim3A_146 = vector.broadcast %jit3A_144 : f32 to vector<128x128xf32>
      %select_n3A_147 = arith.select %eq3A, %broadcast_in_dim3A_145, %broadcast_in_dim3A_146 : vector<128x128xi1>, vector<128x128xf32>
      %dot_general3A = arith.constant dense<0.000000e+00> : vector<128x1xf32>
      %dot_general3A_148 = tpu.matmul %select_n3A_147, %while3A_139#0, %dot_general3A {dimension_numbers = #tpu.dot_dimension_numbers<[1], [1], [0], [0], [0, 0, 1, 0], [], []>, transpose_lhs_hint = false} : vector<128x128xf32>, vector<1x128xf32>, vector<128x1xf32> -> vector<128x1xf32>
      %reduce_sum3A = vector.shape_cast %while3A_139#0 : vector<1x128xf32> to vector<1x1x128xf32>
      %reduce_sum3A_149 = arith.constant dense<0.000000e+00> : vector<1xf32>
      %reduce_sum3A_150 = vector.multi_reduction <add>, %reduce_sum3A, %reduce_sum3A_149 [1, 2] : vector<1x1x128xf32> to vector<1xf32>
      %reduce_sum3A_151 = vector.shape_cast %reduce_sum3A_150 : vector<1xf32> to vector<1x1x1xf32>
      %reduce_sum3A_152 = vector.extract %reduce_sum3A_151[0, 0, 0] : f32 from vector<1x1x1xf32>
      %gt3A_153 = arith.constant 0.000000e+00 : f32
      %gt3A_154 = arith.cmpf ogt, %reduce_sum3A_152, %gt3A_153 : f32
      %convert_element_type3A = arith.extui %gt3A_154 : i1 to i32
      %cond3A = arith.constant 0 : i32
      %cond3A_155 = arith.cmpi ne, %convert_element_type3A, %cond3A : i32
      scf.if %cond3A_155 {
        %add3A_156 = arith.constant 128 : i32
        %add3A_157 = arith.addi %mul3A_71, %add3A_156 : i32
        %jit3A_158 = arith.constant 512 : i32
        %div3A_159 = arith.divsi %add3A_157, %jit3A_158 : i32
        %sign3A = arith.constant 0 : i32
        %sign3A_160 = arith.cmpi sgt, %add3A_157, %sign3A : i32
        %sign3A_161 = arith.extui %sign3A_160 : i1 to i32
        %sign3A_162 = arith.constant 0 : i32
        %sign3A_163 = arith.cmpi slt, %add3A_157, %sign3A_162 : i32
        %sign3A_164 = arith.extui %sign3A_163 : i1 to i32
        %sign3A_165 = arith.subi %sign3A_161, %sign3A_164 : i32
        %sign3A_166 = arith.constant 0 : i32
        %sign3A_167 = arith.cmpi sgt, %jit3A_158, %sign3A_166 : i32
        %sign3A_168 = arith.extui %sign3A_167 : i1 to i32
        %sign3A_169 = arith.constant 0 : i32
        %sign3A_170 = arith.cmpi slt, %jit3A_158, %sign3A_169 : i32
        %sign3A_171 = arith.extui %sign3A_170 : i1 to i32
        %sign3A_172 = arith.subi %sign3A_168, %sign3A_171 : i32
        %ne3A = arith.cmpi ne, %sign3A_165, %sign3A_172 : i32
        %rem3A = arith.remsi %add3A_157, %jit3A_158 : i32
        %ne3A_173 = arith.constant 0 : i32
        %ne3A_174 = arith.cmpi ne, %rem3A, %ne3A_173 : i32
        %and3A_175 = arith.andi %ne3A, %ne3A_174 : i1
        %sub3A_176 = arith.constant 1 : i32
        %sub3A_177 = arith.subi %div3A_159, %sub3A_176 : i32
        %select_n3A_178 = arith.select %and3A_175, %sub3A_177, %div3A_159 : i32
        %while3A_179 = arith.constant 30 : i32
        %while3A_180 = arith.constant 0 : i32
        %while3A_181 = arith.subi %while3A_179, %select_n3A_178 : i32
        %while3A_182 = arith.addi %select_n3A_178, %while3A_181 : i32
        %while3A_183 = arith.constant 1 : i32
        %while3A_184 = arith.divsi %while3A_181, %while3A_183 : i32
        %while3A_185 = arith.muli %while3A_184, %while3A_183 : i32
        %while3A_186 = arith.addi %select_n3A_178, %while3A_185 : i32
        %while3A_187 = arith.constant 1 : i32
        %while3A_188 = scf.for %while3A_191 = %select_n3A_178 to %while3A_186 step %while3A_187 iter_args(%while3A_192 = %while3A_180) -> (i32)  : i32 {
          %mul3A_193 = arith.constant 512 : i32
          %mul3A_194 = arith.muli %while3A_191, %mul3A_193 : i32
          %get3A_195 = arith.constant 0 : index
          %get3A_196 = arith.index_cast %mul3A_194 : i32 to index
          %get3A_197 = vector.load %arg8[%get3A_195, %get3A_196] : memref<1x15360xf32, #tpu.memory_space<vmem>>, vector<1x512xf32>
          %get3A_198 = arith.constant 0 : index
          %get3A_199 = arith.index_cast %mul3A_194 : i32 to index
          %get3A_200 = vector.load %arg1[%get3A_198, %get3A_199] : memref<1x15360xf32, #tpu.memory_space<vmem>>, vector<1x512xf32>
          %get3A_201 = arith.constant 0 : index
          %get3A_202 = arith.index_cast %mul3A_194 : i32 to index
          %get3A_203 = vector.load %arg2[%get3A_201, %get3A_202] : memref<1x15360xf32, #tpu.memory_space<vmem>>, vector<1x512xf32>
          %get3A_204 = arith.constant 0 : index
          %get3A_205 = arith.index_cast %mul3A_194 : i32 to index
          %get3A_206 = vector.load %arg3[%get3A_204, %get3A_205] : memref<1x15360xf32, #tpu.memory_space<vmem>>, vector<1x512xf32>
          %get3A_207 = arith.constant 0 : index
          %get3A_208 = arith.index_cast %mul3A_194 : i32 to index
          %get3A_209 = vector.load %arg4[%get3A_207, %get3A_208] : memref<1x15360xf32, #tpu.memory_space<vmem>>, vector<1x512xf32>
          %max3A_210 = vector.broadcast %slice3A : vector<128x1xf32> to vector<128x512xf32>
          %max3A_211 = vector.broadcast %get3A_200 : vector<1x512xf32> to vector<128x512xf32>
          %max3A_212 = arith.maximumf %max3A_210, %max3A_211 : vector<128x512xf32>
          %max3A_213 = vector.broadcast %slice3A_75 : vector<128x1xf32> to vector<128x512xf32>
          %max3A_214 = vector.broadcast %get3A_203 : vector<1x512xf32> to vector<128x512xf32>
          %max3A_215 = arith.maximumf %max3A_213, %max3A_214 : vector<128x512xf32>
          %min3A_216 = vector.broadcast %slice3A_76 : vector<128x1xf32> to vector<128x512xf32>
          %min3A_217 = vector.broadcast %get3A_206 : vector<1x512xf32> to vector<128x512xf32>
          %min3A_218 = arith.minimumf %min3A_216, %min3A_217 : vector<128x512xf32>
          %min3A_219 = vector.broadcast %slice3A_77 : vector<128x1xf32> to vector<128x512xf32>
          %min3A_220 = vector.broadcast %get3A_209 : vector<1x512xf32> to vector<128x512xf32>
          %min3A_221 = arith.minimumf %min3A_219, %min3A_220 : vector<128x512xf32>
          %sub3A_222 = arith.subf %min3A_218, %max3A_212 : vector<128x512xf32>
          %max3A_223 = arith.constant 0.000000e+00 : f32
          %max3A_224 = vector.broadcast %max3A_223 : f32 to vector<128x512xf32>
          %max3A_225 = arith.maximumf %sub3A_222, %max3A_224 : vector<128x512xf32>
          %sub3A_226 = arith.subf %min3A_221, %max3A_215 : vector<128x512xf32>
          %max3A_227 = arith.constant 0.000000e+00 : f32
          %max3A_228 = vector.broadcast %max3A_227 : f32 to vector<128x512xf32>
          %max3A_229 = arith.maximumf %sub3A_226, %max3A_228 : vector<128x512xf32>
          %mul3A_230 = arith.mulf %max3A_225, %max3A_229 : vector<128x512xf32>
          %get3A_231 = arith.constant 0 : index
          %get3A_232 = arith.index_cast %mul3A_194 : i32 to index
          %get3A_233 = vector.load %arg9[%get3A_231, %get3A_232] : memref<1x15360xf32, #tpu.memory_space<vmem>>, vector<1x512xf32>
          %add3A_234 = vector.broadcast %mul3A_86 : vector<128x1xf32> to vector<128x512xf32>
          %add3A_235 = vector.broadcast %get3A_233 : vector<1x512xf32> to vector<128x512xf32>
          %add3A_236 = arith.addf %add3A_234, %add3A_235 : vector<128x512xf32>
          %sub3A_237 = arith.subf %add3A_236, %mul3A_230 : vector<128x512xf32>
          %max3A_238 = arith.constant 9.99999996E-13 : f32
          %max3A_239 = vector.broadcast %max3A_238 : f32 to vector<128x512xf32>
          %max3A_240 = arith.maximumf %sub3A_237, %max3A_239 : vector<128x512xf32>
          %div3A_241 = arith.divf %mul3A_230, %max3A_240 : vector<128x512xf32>
          %gt3A_242 = arith.constant 1.000000e-01 : f32
          %gt3A_243 = vector.broadcast %gt3A_242 : f32 to vector<128x512xf32>
          %gt3A_244 = arith.cmpf ogt, %div3A_241, %gt3A_243 : vector<128x512xf32>
          %gt3A_245 = arith.constant 5.000000e-01 : f32
          %gt3A_246 = vector.broadcast %gt3A_245 : f32 to vector<128x1xf32>
          %gt3A_247 = arith.cmpf ogt, %dot_general3A_148, %gt3A_246 : vector<128x1xf32>
          %and3A_248 = vector.broadcast %gt3A_247 : vector<128x1xi1> to vector<128x512xi1>
          %and3A_249 = arith.andi %gt3A_244, %and3A_248 : vector<128x512xi1>
          %jit3A_250 = arith.constant 1.000000e+00 : f32
          %jit3A_251 = arith.constant 0.000000e+00 : f32
          %broadcast_in_dim3A_252 = vector.broadcast %jit3A_250 : f32 to vector<128x512xf32>
          %broadcast_in_dim3A_253 = vector.broadcast %jit3A_251 : f32 to vector<128x512xf32>
          %select_n3A_254 = arith.select %and3A_249, %broadcast_in_dim3A_252, %broadcast_in_dim3A_253 : vector<128x512xi1>, vector<128x512xf32>
          %reduce_max3A = arith.constant dense<0xFF800000> : vector<512xf32>
          %reduce_max3A_255 = vector.multi_reduction <maximumf>, %select_n3A_254, %reduce_max3A [0] : vector<128x512xf32> to vector<512xf32>
          %broadcast_in_dim3A_256 = vector.shape_cast %reduce_max3A_255 : vector<512xf32> to vector<1x512xf32>
          %iota3A_257 = tpu.iota {dimensions = array<i32: 1>} : vector<1x512xi32>
          %add3A_258 = vector.broadcast %mul3A_194 : i32 to vector<1x512xi32>
          %add3A_259 = arith.addi %add3A_258, %iota3A_257 : vector<1x512xi32>
          %add3A_260 = arith.constant 128 : i32
          %add3A_261 = arith.addi %mul3A_71, %add3A_260 : i32
          %ge3A = vector.broadcast %add3A_261 : i32 to vector<1x512xi32>
          %ge3A_262 = arith.cmpi sge, %add3A_259, %ge3A : vector<1x512xi32>
          %gt3A_263 = arith.constant 5.000000e-01 : f32
          %gt3A_264 = vector.broadcast %gt3A_263 : f32 to vector<1x512xf32>
          %gt3A_265 = arith.cmpf ogt, %broadcast_in_dim3A_256, %gt3A_264 : vector<1x512xf32>
          %and3A_266 = arith.andi %gt3A_265, %ge3A_262 : vector<1x512xi1>
          %jit3A_267 = arith.constant 0.000000e+00 : f32
          %broadcast_in_dim3A_268 = vector.broadcast %jit3A_267 : f32 to vector<1x512xf32>
          %select_n3A_269 = arith.select %and3A_266, %broadcast_in_dim3A_268, %get3A_197 : vector<1x512xi1>, vector<1x512xf32>
          %swap3A_270 = arith.constant 0 : index
          %swap3A_271 = arith.index_cast %mul3A_194 : i32 to index
          %swap3A_272 = vector.load %arg8[%swap3A_270, %swap3A_271] : memref<1x15360xf32, #tpu.memory_space<vmem>>, vector<1x512xf32>
          tpu.vector_store %arg8[%swap3A_270, %swap3A_271], %select_n3A_269 {strides = array<i32>} : memref<1x15360xf32, #tpu.memory_space<vmem>>, vector<1x512xf32>,
          %while3A_273 = arith.constant 0 : i32
          scf.yield %while3A_273 : i32
        }
        %while3A_189 = arith.constant 1 : i32
        %while3A_190 = scf.for %while3A_191 = %while3A_186 to %while3A_182 step %while3A_189 iter_args(%while3A_192 = %while3A_188) -> (i32)  : i32 {
          %mul3A_193 = arith.constant 512 : i32
          %mul3A_194 = arith.muli %while3A_191, %mul3A_193 : i32
          %get3A_195 = arith.constant 0 : index
          %get3A_196 = arith.index_cast %mul3A_194 : i32 to index
          %get3A_197 = vector.load %arg8[%get3A_195, %get3A_196] : memref<1x15360xf32, #tpu.memory_space<vmem>>, vector<1x512xf32>
          %get3A_198 = arith.constant 0 : index
          %get3A_199 = arith.index_cast %mul3A_194 : i32 to index
          %get3A_200 = vector.load %arg1[%get3A_198, %get3A_199] : memref<1x15360xf32, #tpu.memory_space<vmem>>, vector<1x512xf32>
          %get3A_201 = arith.constant 0 : index
          %get3A_202 = arith.index_cast %mul3A_194 : i32 to index
          %get3A_203 = vector.load %arg2[%get3A_201, %get3A_202] : memref<1x15360xf32, #tpu.memory_space<vmem>>, vector<1x512xf32>
          %get3A_204 = arith.constant 0 : index
          %get3A_205 = arith.index_cast %mul3A_194 : i32 to index
          %get3A_206 = vector.load %arg3[%get3A_204, %get3A_205] : memref<1x15360xf32, #tpu.memory_space<vmem>>, vector<1x512xf32>
          %get3A_207 = arith.constant 0 : index
          %get3A_208 = arith.index_cast %mul3A_194 : i32 to index
          %get3A_209 = vector.load %arg4[%get3A_207, %get3A_208] : memref<1x15360xf32, #tpu.memory_space<vmem>>, vector<1x512xf32>
          %max3A_210 = vector.broadcast %slice3A : vector<128x1xf32> to vector<128x512xf32>
          %max3A_211 = vector.broadcast %get3A_200 : vector<1x512xf32> to vector<128x512xf32>
          %max3A_212 = arith.maximumf %max3A_210, %max3A_211 : vector<128x512xf32>
          %max3A_213 = vector.broadcast %slice3A_75 : vector<128x1xf32> to vector<128x512xf32>
          %max3A_214 = vector.broadcast %get3A_203 : vector<1x512xf32> to vector<128x512xf32>
          %max3A_215 = arith.maximumf %max3A_213, %max3A_214 : vector<128x512xf32>
          %min3A_216 = vector.broadcast %slice3A_76 : vector<128x1xf32> to vector<128x512xf32>
          %min3A_217 = vector.broadcast %get3A_206 : vector<1x512xf32> to vector<128x512xf32>
          %min3A_218 = arith.minimumf %min3A_216, %min3A_217 : vector<128x512xf32>
          %min3A_219 = vector.broadcast %slice3A_77 : vector<128x1xf32> to vector<128x512xf32>
          %min3A_220 = vector.broadcast %get3A_209 : vector<1x512xf32> to vector<128x512xf32>
          %min3A_221 = arith.minimumf %min3A_219, %min3A_220 : vector<128x512xf32>
          %sub3A_222 = arith.subf %min3A_218, %max3A_212 : vector<128x512xf32>
          %max3A_223 = arith.constant 0.000000e+00 : f32
          %max3A_224 = vector.broadcast %max3A_223 : f32 to vector<128x512xf32>
          %max3A_225 = arith.maximumf %sub3A_222, %max3A_224 : vector<128x512xf32>
          %sub3A_226 = arith.subf %min3A_221, %max3A_215 : vector<128x512xf32>
          %max3A_227 = arith.constant 0.000000e+00 : f32
          %max3A_228 = vector.broadcast %max3A_227 : f32 to vector<128x512xf32>
          %max3A_229 = arith.maximumf %sub3A_226, %max3A_228 : vector<128x512xf32>
          %mul3A_230 = arith.mulf %max3A_225, %max3A_229 : vector<128x512xf32>
          %get3A_231 = arith.constant 0 : index
          %get3A_232 = arith.index_cast %mul3A_194 : i32 to index
          %get3A_233 = vector.load %arg9[%get3A_231, %get3A_232] : memref<1x15360xf32, #tpu.memory_space<vmem>>, vector<1x512xf32>
          %add3A_234 = vector.broadcast %mul3A_86 : vector<128x1xf32> to vector<128x512xf32>
          %add3A_235 = vector.broadcast %get3A_233 : vector<1x512xf32> to vector<128x512xf32>
          %add3A_236 = arith.addf %add3A_234, %add3A_235 : vector<128x512xf32>
          %sub3A_237 = arith.subf %add3A_236, %mul3A_230 : vector<128x512xf32>
          %max3A_238 = arith.constant 9.99999996E-13 : f32
          %max3A_239 = vector.broadcast %max3A_238 : f32 to vector<128x512xf32>
          %max3A_240 = arith.maximumf %sub3A_237, %max3A_239 : vector<128x512xf32>
          %div3A_241 = arith.divf %mul3A_230, %max3A_240 : vector<128x512xf32>
          %gt3A_242 = arith.constant 1.000000e-01 : f32
          %gt3A_243 = vector.broadcast %gt3A_242 : f32 to vector<128x512xf32>
          %gt3A_244 = arith.cmpf ogt, %div3A_241, %gt3A_243 : vector<128x512xf32>
          %gt3A_245 = arith.constant 5.000000e-01 : f32
          %gt3A_246 = vector.broadcast %gt3A_245 : f32 to vector<128x1xf32>
          %gt3A_247 = arith.cmpf ogt, %dot_general3A_148, %gt3A_246 : vector<128x1xf32>
          %and3A_248 = vector.broadcast %gt3A_247 : vector<128x1xi1> to vector<128x512xi1>
          %and3A_249 = arith.andi %gt3A_244, %and3A_248 : vector<128x512xi1>
          %jit3A_250 = arith.constant 1.000000e+00 : f32
          %jit3A_251 = arith.constant 0.000000e+00 : f32
          %broadcast_in_dim3A_252 = vector.broadcast %jit3A_250 : f32 to vector<128x512xf32>
          %broadcast_in_dim3A_253 = vector.broadcast %jit3A_251 : f32 to vector<128x512xf32>
          %select_n3A_254 = arith.select %and3A_249, %broadcast_in_dim3A_252, %broadcast_in_dim3A_253 : vector<128x512xi1>, vector<128x512xf32>
          %reduce_max3A = arith.constant dense<0xFF800000> : vector<512xf32>
          %reduce_max3A_255 = vector.multi_reduction <maximumf>, %select_n3A_254, %reduce_max3A [0] : vector<128x512xf32> to vector<512xf32>
          %broadcast_in_dim3A_256 = vector.shape_cast %reduce_max3A_255 : vector<512xf32> to vector<1x512xf32>
          %iota3A_257 = tpu.iota {dimensions = array<i32: 1>} : vector<1x512xi32>
          %add3A_258 = vector.broadcast %mul3A_194 : i32 to vector<1x512xi32>
          %add3A_259 = arith.addi %add3A_258, %iota3A_257 : vector<1x512xi32>
          %add3A_260 = arith.constant 128 : i32
          %add3A_261 = arith.addi %mul3A_71, %add3A_260 : i32
          %ge3A = vector.broadcast %add3A_261 : i32 to vector<1x512xi32>
          %ge3A_262 = arith.cmpi sge, %add3A_259, %ge3A : vector<1x512xi32>
          %gt3A_263 = arith.constant 5.000000e-01 : f32
          %gt3A_264 = vector.broadcast %gt3A_263 : f32 to vector<1x512xf32>
          %gt3A_265 = arith.cmpf ogt, %broadcast_in_dim3A_256, %gt3A_264 : vector<1x512xf32>
          %and3A_266 = arith.andi %gt3A_265, %ge3A_262 : vector<1x512xi1>
          %jit3A_267 = arith.constant 0.000000e+00 : f32
          %broadcast_in_dim3A_268 = vector.broadcast %jit3A_267 : f32 to vector<1x512xf32>
          %select_n3A_269 = arith.select %and3A_266, %broadcast_in_dim3A_268, %get3A_197 : vector<1x512xi1>, vector<1x512xf32>
          %swap3A_270 = arith.constant 0 : index
          %swap3A_271 = arith.index_cast %mul3A_194 : i32 to index
          %swap3A_272 = vector.load %arg8[%swap3A_270, %swap3A_271] : memref<1x15360xf32, #tpu.memory_space<vmem>>, vector<1x512xf32>
          tpu.vector_store %arg8[%swap3A_270, %swap3A_271], %select_n3A_269 {strides = array<i32>} : memref<1x15360xf32, #tpu.memory_space<vmem>>, vector<1x512xf32>,
          %while3A_273 = arith.constant 0 : i32
          scf.yield %while3A_273 : i32
        }
      } else {
      }
    }
    %scan3A_28 = arith.constant 120 : i32
    %get3A_29 = arith.constant 0 : index
    %get3A_30 = arith.constant 0 : index
    %get3A_31 = vector.load %arg8[%get3A_29, %get3A_30] : memref<1x15360xf32, #tpu.memory_space<vmem>>, vector<1x15360xf32>
    %mul3A_32 = arith.mulf %get3A_1, %get3A_31 : vector<1x15360xf32>
    %swap3A_33 = arith.constant 0 : index
    %swap3A_34 = arith.constant 0 : index
    %swap3A_35 = vector.load %arg7[%swap3A_33, %swap3A_34] : memref<8x15360xf32, #tpu.memory_space<vmem>>, vector<1x15360xf32>
    tpu.vector_store %arg7[%swap3A_33, %swap3A_34], %mul3A_32 {strides = array<i32>} : memref<8x15360xf32, #tpu.memory_space<vmem>>, vector<1x15360xf32>,
    %mul3A_36 = arith.mulf %get3A_4, %get3A_31 : vector<1x15360xf32>
    %swap3A_37 = arith.constant 1 : index
    %swap3A_38 = arith.constant 0 : index
    %swap3A_39 = vector.load %arg7[%swap3A_37, %swap3A_38] : memref<8x15360xf32, #tpu.memory_space<vmem>>, vector<1x15360xf32>
    tpu.vector_store %arg7[%swap3A_37, %swap3A_38], %mul3A_36 {strides = array<i32>} : memref<8x15360xf32, #tpu.memory_space<vmem>>, vector<1x15360xf32>,
    %mul3A_40 = arith.mulf %get3A_7, %get3A_31 : vector<1x15360xf32>
    %swap3A_41 = arith.constant 2 : index
    %swap3A_42 = arith.constant 0 : index
    %swap3A_43 = vector.load %arg7[%swap3A_41, %swap3A_42] : memref<8x15360xf32, #tpu.memory_space<vmem>>, vector<1x15360xf32>
    tpu.vector_store %arg7[%swap3A_41, %swap3A_42], %mul3A_40 {strides = array<i32>} : memref<8x15360xf32, #tpu.memory_space<vmem>>, vector<1x15360xf32>,
    %mul3A_44 = arith.mulf %get3A_10, %get3A_31 : vector<1x15360xf32>
    %swap3A_45 = arith.constant 3 : index
    %swap3A_46 = arith.constant 0 : index
    %swap3A_47 = vector.load %arg7[%swap3A_45, %swap3A_46] : memref<8x15360xf32, #tpu.memory_space<vmem>>, vector<1x15360xf32>
    tpu.vector_store %arg7[%swap3A_45, %swap3A_46], %mul3A_44 {strides = array<i32>} : memref<8x15360xf32, #tpu.memory_space<vmem>>, vector<1x15360xf32>,
    %get3A_48 = arith.constant 0 : index
    %get3A_49 = arith.constant 0 : index
    %get3A_50 = vector.load %arg5[%get3A_48, %get3A_49] : memref<1x15360xf32, #tpu.memory_space<vmem>>, vector<1x15360xf32>
    %jit3A = arith.constant 9.99999997E-7 : f32
    %jit3A_51 = arith.constant 0.999998986 : f32
    %max3A_52 = vector.broadcast %jit3A : f32 to vector<1x15360xf32>
    %max3A_53 = arith.maximumf %max3A_52, %get3A_50 : vector<1x15360xf32>
    %min3A = vector.broadcast %jit3A_51 : f32 to vector<1x15360xf32>
    %min3A_54 = arith.minimumf %min3A, %max3A_53 : vector<1x15360xf32>
    %log3A = math.log %min3A_54 : vector<1x15360xf32>
    %neg3A = arith.constant 0.000000e+00 : f32
    %neg3A_55 = vector.broadcast %neg3A : f32 to vector<1x15360xf32>
    %neg3A_56 = arith.subf %neg3A_55, %min3A_54 : vector<1x15360xf32>
    %log1p3A = math.log1p %neg3A_56 : vector<1x15360xf32>
    %sub3A_57 = arith.subf %log3A, %log1p3A : vector<1x15360xf32>
    %mul3A_58 = arith.mulf %sub3A_57, %get3A_31 : vector<1x15360xf32>
    %swap3A_59 = arith.constant 4 : index
    %swap3A_60 = arith.constant 0 : index
    %swap3A_61 = vector.load %arg7[%swap3A_59, %swap3A_60] : memref<8x15360xf32, #tpu.memory_space<vmem>>, vector<1x15360xf32>
    tpu.vector_store %arg7[%swap3A_59, %swap3A_60], %mul3A_58 {strides = array<i32>} : memref<8x15360xf32, #tpu.memory_space<vmem>>, vector<1x15360xf32>,
    %swap3A_62 = arith.constant 5 : index
    %swap3A_63 = arith.constant 0 : index
    %swap3A_64 = vector.load %arg7[%swap3A_62, %swap3A_63] : memref<8x15360xf32, #tpu.memory_space<vmem>>, vector<1x15360xf32>
    tpu.vector_store %arg7[%swap3A_62, %swap3A_63], %get3A_31 {strides = array<i32>} : memref<8x15360xf32, #tpu.memory_space<vmem>>, vector<1x15360xf32>,
    %broadcast_in_dim3A = arith.constant 0.000000e+00 : f32
    %broadcast_in_dim3A_65 = vector.broadcast %broadcast_in_dim3A : f32 to vector<2x15360xf32>
    %swap3A_66 = arith.constant 6 : index
    %swap3A_67 = arith.constant 0 : index
    %swap3A_68 = vector.load %arg7[%swap3A_66, %swap3A_67] : memref<8x15360xf32, #tpu.memory_space<vmem>>, vector<2x15360xf32>
    tpu.vector_store %arg7[%swap3A_66, %swap3A_67], %broadcast_in_dim3A_65 {strides = array<i32>} : memref<8x15360xf32, #tpu.memory_space<vmem>>, vector<2x15360xf32>,
    return
  }
}

</mosaic_0001>

<sc_bundles>
// kernel: gather_offload_async_start.1
scs
__scs_entry_jumppad:
0x0: {  	(pc) =	sbr.rel $0x88, $3  }
0x1: {  	(tag) =	ssettag $0x0;
	lr =	simm.s32 $0x1  }
0x2: {  	[smem:$0x3F9E] =	sst lr;
	_ =	strace $0xD0000000  }
0x3: {  	_ = 	snop  }
0x4: {  	_ = 	snop  }
0x5: {  	_ = 	snop  }
0x6: {  	_ = 	snop  }
0x7: {  	_ = 	snop  }
__scs_overlays_trampoline_lowered:
0x8: {  	[smem:$0x3FAD] =	sst s0  }
0x9: {  	[smem:$0x3FAE] =	sst s1  }
0xa: {  	[smem:$0x3FAF] =	sst s2  }
0xb: {  	[smem:$0x3FB0] =	sst s3  }
0xc: {  	[smem:$0x3FB1] =	sst s4  }
0xd: {  	[smem:$0x3FB2] =	sst s5  }
0xe: {  	[smem:$0x3FB3] =	sst s6  }
0xf: {  	[smem:$0x3FB4] =	sst s7  }
0x10: {  	[smem:$0x3FB5] =	sst s8  }
0x11: {  	[smem:$0x3FB6] =	sst s9;
	s0 =	simm.s32 @!p0 $0x0  }
0x12: {  	s1 =	sld [smem:$0x3F9C];
	s0 =	simm.s32 @p0 $0x1  }
0x13: {  	[smem:$0x3FB7] =	sst s0;
	s0 =	simm.s32 @!p1 $0x0  }
0x14: {  	s2 =	sld [smem:$0x3F9B];
	s0 =	simm.s32 @p1 $0x1  }
0x15: {  	[smem:$0x3FB8] =	sst s0;
	s0 =	simm.s32 @!p2 $0x0  }
0x16: {  	s3 =	sld [smem:$0x3FDB];
	s0 =	simm.s32 @p2 $0x1  }
0x17: {  	s4 =	simm.s32 $0x1BF5;
	[smem:$0x3FBA] =	sst s0  }
0x18: {  	s0 =	sld [smem:$0x3F9D];
	_ =	swait.ge [sflag:s4], $0x0  }
0x19: {  	s7 =	sld [smem:$0x3F9E]  }
0x1a: {  	s8 =	sadd.s32 $0xFFFFE003, lr  }
0x1b: {  	s9 =	sadd.s32 $0xFFFFFEF7, lr;
	s5 =	simm.s32 $0xFFFFFFFF;
	p2 =	slt.u32 s8, $0xFFFFF086  }
0x1c: {  	p1 =	slt.u32 s9, $0xF7A;
	s5 =	simm.s32 @!p2 $0x0  }
0x1d: {  	s5 =	simm.s32 @p1 $0x1;
	p0 =	seq.s32 s7, s2  }
0x1e: {  	s7 =	smul.u32 @!p0 $0xF7A, s2;
	p2 =	seq.s32 @!p0 s5, $0x0  }
0x1f: {  	s9 =	smul.u32 $0xF7A, s1;
	s8 =	simm.s32 @!p0 $0x1BF5;
	p2 =	por !p2, p0  }
0x20: {  	[sflag:s8] =	ssyncset.s32 @!p0 $0xFFFFF086;
	s6 =	sadd.s32 @!p0 s3, s7;
	s7 =	simm.s32 @!p0 $0x108  }
0x21: {  	s3 =	sadd.s32 s3, s9;
	s6 =	sadd.s32 @!p0 $0x88, s6;
	s7 =	simm.s32 @p2 $0x1082  }
0x22: {  	[simem:s7], [sflag:s8] =	dma.local @!p0 [hbm:s6], $0xF7A  }
0x23: {  	s9 =	sor.u32 $0xD0000000, s2;
	s6 =	simm.s32 $0x108;
	_ =	swait.ge @!p0 [sflag:s8], $0x0  }
0x24: {  	s3 =	sadd.s32 $0x88, s3;
	s6 =	simm.s32 @!p1 $0x1082;
	[sflag:s4] =	ssyncset.s32 $0xFFFFF086  }
0x25: {  	[simem:s6], [sflag:s4] =	dma.local [hbm:s3], $0xF7A  }
0x26: {  	[smem:$0x3F9E] =	sst s1;
	(tag) =	ssettag s2;
	_ =	strace s9  }
0x27: {  	s1 =	sld [smem:$0x3FAE]  }
0x28: {  	s2 =	sld [smem:$0x3FAF]  }
0x29: {  	s4 =	sld [smem:$0x3FB1]  }
0x2a: {  	p0 =	seq.s32 s5, $0x0;
	s5 =	sld [smem:$0x3FB2]  }
0x2b: {  	s6 =	sld [smem:$0x3FB3]  }
0x2c: {  	s7 =	sld [smem:$0x3FB4]  }
0x2d: {  	s3 =	simm.s32 $0x108;
	s8 =	sld [smem:$0x3FB5]  }
0x2e: {  	s3 =	simm.s32 @!p0 $0x1082;
	s9 =	sld [smem:$0x3FB6]  }
0x2f: {  	lr =	sadd.s32 s0, s3;
	s0 =	sld [smem:$0x3FAD]  }
0x30: {  	s3 =	sld [smem:$0x3FB0]  }
0x31: {  	[smem:$0x3FB9] =	sst s10  }
0x32: {  	s10 =	sld [smem:$0x3FB7];
	_ =	sdelay $0x3  }
0x33: {  	p0 =	seq.s32 s10, $0x1;
	s10 =	sld [smem:$0x3FB9];
	_ =	sdelay $0x3  }
0x34: {  	[smem:$0x3FB9] =	sst s10  }
0x35: {  	s10 =	sld [smem:$0x3FB8];
	_ =	sdelay $0x3  }
0x36: {  	p1 =	seq.s32 s10, $0x1;
	s10 =	sld [smem:$0x3FB9];
	_ =	sdelay $0x3  }
0x37: {  	[smem:$0x3FB9] =	sst s10  }
0x38: {  	s10 =	sld [smem:$0x3FBA]  }
0x39: {  	_ = 	snop;
	(pc) =	sbr.ind lr, $3  }
0x3a: {  	_ = 	snop  }
0x3b: {  	_ = 	snop  }
0x3c: {  	p2 =	seq.s32 s10, $0x1;
	s10 =	sld [smem:$0x3FB9]  }
0x3d: {  	_ =	shalt  }
0x3e: {  	_ =	shalt  }
0x3f: {  	_ =	shalt  }
0x40: {  	_ =	shalt  }
0x41: {  	_ =	shalt  }
0x42: {  	_ =	shalt  }
0x43: {  	_ =	shalt  }
0x44: {  	_ =	shalt  }
0x45: {  	_ =	shalt  }
0x46: {  	_ =	shalt  }
0x47: {  	_ =	shalt  }
0x48: {  	_ =	shalt  }
0x49: {  	_ =	shalt  }
0x4a: {  	_ =	shalt  }
0x4b: {  	_ =	shalt  }
0x4c: {  	_ =	shalt  }
0x4d: {  	_ =	shalt  }
0x4e: {  	_ =	shalt  }
0x4f: {  	_ =	shalt  }
0x50: {  	_ =	shalt  }
0x51: {  	_ =	shalt  }
0x52: {  	_ =	shalt  }
0x53: {  	_ =	shalt  }
0x54: {  	_ =	shalt  }
0x55: {  	_ =	shalt  }
0x56: {  	_ =	shalt  }
0x57: {  	_ =	shalt  }
0x58: {  	_ =	shalt  }
0x59: {  	_ =	shalt  }
0x5a: {  	_ =	shalt  }
0x5b: {  	_ =	shalt  }
0x5c: {  	_ =	shalt  }
0x5d: {  	_ =	shalt  }
0x5e: {  	_ =	shalt  }
0x5f: {  	_ =	shalt  }
0x60: {  	_ =	shalt  }
0x61: {  	_ =	shalt  }
0x62: {  	_ =	shalt  }
0x63: {  	_ =	shalt  }
0x64: {  	_ =	shalt  }
0x65: {  	_ =	shalt  }
0x66: {  	_ =	shalt  }
0x67: {  	_ =	shalt  }
0x68: {  	_ =	shalt  }
0x69: {  	_ =	shalt  }
0x6a: {  	_ =	shalt  }
0x6b: {  	_ =	shalt  }
0x6c: {  	_ =	shalt  }
0x6d: {  	_ =	shalt  }
0x6e: {  	_ =	shalt  }
0x6f: {  	_ =	shalt  }
0x70: {  	_ =	shalt  }
0x71: {  	_ =	shalt  }
0x72: {  	_ =	shalt  }
0x73: {  	_ =	shalt  }
0x74: {  	_ =	shalt  }
0x75: {  	_ =	shalt  }
0x76: {  	_ =	shalt  }
0x77: {  	_ =	shalt  }
0x78: {  	_ =	shalt  }
0x79: {  	_ =	shalt  }
0x7a: {  	_ =	shalt  }
0x7b: {  	_ =	shalt  }
0x7c: {  	_ =	shalt  }
0x7d: {  	_ =	shalt  }
0x7e: {  	_ =	shalt  }
0x7f: {  	_ =	shalt  }
0x80: {  	_ =	shalt  }
0x81: {  	_ =	shalt  }
0x82: {  	_ =	shalt  }
0x83: {  	_ =	shalt  }
0x84: {  	_ =	shalt  }
0x85: {  	_ =	shalt  }
0x86: {  	_ =	shalt  }
0x87: {  	_ =	shalt  }
.Lfunc_end0:
.L_simem_size_0:
called_computation.1_lowered:
.L_overlay_start_0:
0x88: {  	s2 =	sld [smem:$0x3FD9]  }
0x89: {  	s3 =	sld [smem:$0x3FFE];
	_ =	sdelay $0x1  }
0x8a: {  	s1 =	srdreg.scid  }
0x8b: {  	s0 =	sand.u32 $0x1, s1  }
0x8c: {  	s16 =	sshll.u32 s0, $0xA;
	s2 =	sadd.s32 s3, s2  }
0x8d: {  	s2 =	sadd.s32 s2, s16  }
0x8e: {  	[smem:$0x3FC5] =	sst s2  }
0x8f: {  	_ = 	snop  }
0x90: {  	(tm) =	ssettm $0x1  }
0x91: {  	s17 =	sld [smem:$0x3FFB];
	_ =	sdelay $0x3  }
0x92: {  	_ =	strace s17  }
0x93: {  	s2 =	sld [smem:$0x3FFC];
	_ =	sdelay $0x3  }
0x94: {  	_ =	strace s2  }
0x95: {  	s2 =	sld [smem:$0x3FFD];
	_ =	sdelay $0x3  }
0x96: {  	_ =	strace s2  }
0x97: {  	_ =	strace $0x8FFFFFFF  }
0x98: {  	s18 =	sld [smem:$0x3FDB];
	_ =	sdelay $0x1  }
0x99: {  	s19 =	simm.s32 $_scs_section_size  }
0x9a: {  	s4 =	simm.s32 $_size__tile_overlayer_lowered;
	s5 =	simm.s32 $_tile_overlayer_lowered  }
0x9b: {  	s22 =	simm.s32 $0x1BFF;
	s21 =	sshll.u32 s5, $0x1;
	s2 =	sadd.s32 s19, s18  }
0x9c: {  	s6 =	simm.s32 $0x0;
	s20 =	sshll.u32 s4, $0x1;
	s4 =	sadd.s32 s21, s2  }
0x9d: {  	[timem:s6], [sflag:s22] =	dma.local [hbm:s4], s20  }
0x9e: {  	_ =	swait.ge [sflag:s22], s20  }
0x9f: {  	s3 =	ssub.s32 $0x0, s20;
	[sflag:s22] =	ssyncset.done $0x0  }
0xa0: {  	[sflag:s22] =	ssyncadd.s32 s3;
	_ =	sdelay $0x1  }
0xa1: {  	s23 =	simm.s32 $0x1B8B  }
0xa2: {  	_ =	swait.ge [sflag:s23], $0x1  }
0xa3: {  	[sflag:s23] =	ssyncset.done $0x0  }
0xa4: {  	s25 =	simm.s32 $0x1B8E;
	s24 =	sld [smem:$0x3FFE];
	[sflag:s23] =	ssyncadd.s32 $0xFFFFFFFF  }
0xa5: {  	s26 =	simm.s32 $execute0_lowered;
	[smem:$0x3FD2] =	sst s25  }
0xa6: {  	s4 =	sshll.u32 s26, $0x1;
	_ =	strace $0x80000049;
	[dreg:$0x1] =	wrdreg $0xFFFFFFFF  }
0xa7: {  	s28 =	simm.s32 $_size_execute0_lowered;
	s2 =	sadd.s32 s2, s4;
	[dreg:$0x0] =	wrdreg $0x0  }
0xa8: {  	s4 =	sshll.u32 s28, $0x1;
	[dreg:$0x2] =	wrdreg s2  }
0xa9: {  	[dreg:$0x3] =	wrdreg s4  }
0xaa: {  	[dreg:$0x4] =	wrdreg $0xC0  }
0xab: {  	_ =	task [dreg:s6], $0x5FFFF  }
0xac: {  	[dreg:$0x1] =	wrdreg $0xFFFFFFFF  }
0xad: {  	[dreg:$0x0] =	wrdreg $0x60  }
0xae: {  	[dreg:$0x2] =	wrdreg s24  }
0xaf: {  	[dreg:$0x3] =	wrdreg $0x9  }
0xb0: {  	_ =	task.clear_ibuf [dreg:s6], $0x4FFFF;
	_ =	strace $0x90000049  }
0xb1: {  	s29 =	simm.s32 $0x9;
	_ =	strace $0x8000004B  }
0xb2: {  	_ =	swait.ge [sflag:s29], $0x1  }
0xb3: {  	[sflag:s29] =	ssyncadd.s32 $0xFFFFFFFF  }
0xb4: {  	_ =	strace $0x9000004B  }
0xb5: {  	_ =	sfence  }
0xb6: {  	s30 =	sld [smem:$0x0];
	_ =	sdelay $0x2  }
0xb7: {  	s31 =	sshll.u32 s1, $0xD;
	s1 =	sshrl.u32 s1, $0x2  }
0xb8: {  	s3 =	sand.u32 $0x4000, s31;
	s1 =	sadd.s32 s1, s30  }
0xb9: {  	s0 =	sor.u32 s3, s0;
	s1 =	sshll.u32 s1, $0x11  }
0xba: {  	s0 =	sor.u32 s1, s0  }
0xbb: {  	s0 =	sadd.s32 $0x8F2B, s0  }
0xbc: {  	[sflag:s0] =	ssyncadd.remote.s32 $0x1  }
0xbd: {  	_ =	sfence.sel $0xFFFF  }
0xbe: {  	[dreg:$0x0] =	wrdreg $0xFFFFFFFF;
	(pc) =	sbr.abs _section_cstart, $3  }
0xbf: {  	[dreg:$0x1] =	wrdreg $0xFFFFFFFF  }
0xc0: {  	_ =	task.clear_ibuf [dreg:s6], $0x2FFFF;
	_ =	strace $0x9FFFFFFF  }
0xc1: {  	(tm) =	ssettm $0x7FFFFFFF  }
tec
execute0_lowered:
.L_overlay_start_1:
0x0: {  	(tag) =	ssettag $0x1  }
0x1: {  	s0 =	srdreg.scid  }
0x2: {  	s1 =	sshll.u32 s0, $0x4  }
0x3: {  	s0 =	stileid.u32;
	s1 =	sand.u32 $0x10, s1  }
0x4: {  	s1 =	sor.u32 s0, s1  }
0x5: {  	s2 =	smin.u32 s1, $0x8  }
0x6: {  	s2 =	sadd.s32 s1, s2  }
0x7: {  	p0 =	slt.u32 s1, $0x8;
	s1 =	simm.s32 $0x300;
	s2 =	smul.u32 $0x180, s2  }
0x8: {  	s1 =	simm.s32 @!p0 $0x180  }
0x9: {  	s1 =	sadd.s32 s1, s2  }
0xa: {  	s3 =	smin.u32 s1, $0x3C00  }
0xb: {  	s7 =	ssub.s32 s3, s2  }
0xc: {  	p0 =	sgt.s32 s7, $0x0  }
0xd: {  	s7 =	simm.s32 @!p0 $0x0  }
0xe: {  	s31 =	smul.u32 $0xAAAB, s7  }
0xf: {  	s4 =	rddreg [dreg:$0x0];
	s6 =	simm.s32 $0x1  }
0x10: {  	s10 =	simm.s32 $0x3;
	s13 =	simm.s32 $0x0;
	s8 =	sshrl.u32 s31, $0x18  }
0x11: {  	s12 =	simm.s32 $0x0;
	s5 =	sadd.s32 $0x78000, s4;
	s9 =	smul.u32 $0x180, s8  }
.Ltmp0:
0x12: {  	s11 =	smov.u32 s2;
	s1 =	rddreg [dreg:$0x1];
	(pc) =	sbr.rel .LBB2_1-.Ltmp0, $4  }
0x13: {  	_ =	strace $0x8000004A;
	p0 =	sne.s32 s7, s9;
	s9 =	simm.s32 $0x1  }
0x14: {  	[sflag:s6] =	ssyncpa.u1 $0x0;
	s7 =	simm.s32 $0x2;
	s9 =	simm.s32 @!p0 $0x0  }
0x15: {  	[sflag:s7] =	ssyncpa.u1 $0x0;
	p0 =	por $0x0, $0x0;
	s8 =	sadd.s32 s8, s9  }
0x16: {  	vm0 =	vmmov $0xff;
	vm1 =	vcmask $0x3F20;
	s9 =	sadd.s32 $0x3C000, s4;
	[sflag:s10] =	ssyncpa.u1 $0x0;
	s10 =	sadd.s32 $0x1, s8  }
.LBB2_6:
0x17: {  	[hbm:s17] =	stream.linear.scatter [tilespmem:s14], [sflag:$0x3], $0x400, $0x38;
	[tilespmem:$0x18300] =	vst v63  }
.LBB2_7:
0x18: {  	s13 =	sadd.s32 $0x180, s11  }
0x19: {  	s15 =	smov.u32 s2;
	p2 =	slt.s32 s13, s3  }
0x1a: {  	s15 =	smov.u32 @p2 s13;
	p2 =	sne.s32 s12, s10  }
.Ltmp1:
0x1b: {  	p1 =	slt.u32 s12, $0x2;
	(pc) =	sbr.rel @!p2 .LBB2_8-.Ltmp1, $4  }
0x1c: {  	s14 =	simm.s32 @!p1 $0x3  }
0x1d: {  	s16 =	sadd.s32 $0x1, s12;
	_ =	swait.ge @!p1 [sflag:s14], $0xC000  }
0x1e: {  	p0 =	por !p0, !p0;
	s13 =	smov.u32 s11;
	[sflag:s14] =	ssyncset.done @!p1 $0x0  }
0x1f: {  	s12 =	smov.u32 s16;
	s11 =	smov.u32 s15;
	[sflag:s14] =	ssyncadd.s32 @!p1 $0xFFFF4000  }
.LBB2_1:
0x20: {  	p1 =	sge.u32 s12, s8  }
0x21: {  	s14 =	sxor.u32 @!p1 $0xFFFFFFFF, s12  }
0x22: {  	s14 =	sand.u32 @!p1 $0x1, s14  }
0x23: {  	s14 =	smul.u32 @!p1 $0x600, s14  }
0x24: {  	s31 =	sadd.s32 $0xFFFFFFFF, s12;
	s15 =	sshrl.u32 @!p1 s11, $0x3  }
0x25: {  	s16 =	sand.u32 @!p1 $0x7, s11;
	s15 =	sadd.s32 @!p1 s5, s15;
	s14 =	sshrl.u32 @!p1 s14, $0x2  }
0x26: {  	[tilespmem:s14], [sflag:$0x2] =	stream.linear.gather @!p1 [hbm4b:s15+s16], $0x180, $0x38;
	[tilespmem:$0x18300] =	vst v63  }
0x27: {  	p1 =	sge.u32 s31, s8  }
.Ltmp2:
0x28: {  	_ = 	snop;
	(pc) =	sbr.rel @p1 .LBB2_7-.Ltmp2, $1  }
0x29: {  	_ =	sdelay $0x3  }
0x2a: {  	s14 =	simm.s32 $0x1  }
0x2b: {  	s14 =	simm.s32 @!p0 $0x0  }
0x2c: {  	s15 =	smul.u32 $0x600, s14  }
0x2d: {  	_ =	swait.ge [sflag:s7], $0x180  }
0x2e: {  	[sflag:s7] =	ssyncset.done $0x0;
	s16 =	sshrl.u32 s15, $0x2  }
0x2f: {  	[sflag:s7] =	ssyncadd.s32 $0xFFFFFE80;
	s15 =	sadd.s32 $0x0, s16  }
0x30: {  	v0 =	vld.msk [tilespmem:s15+$0x0 ss:$0x1], $0xffff;
	_ =	sdelay $0x4  }
0x31: {  	vm2 =	vgt.s32 v0, $0x0  }
0x32: {  	v0 =	vnsel vm2, $0x0, v0  }
0x33: {  	v0 =	vmin.u32 v0, $0x3BFF  }
0x34: {  	v0 =	vshll.u32 v0, $0x4  }
0x35: {  	s14 =	smul.u32 $0x30000, s14;
	_ =	sdelay $0x1  }
0x36: {  	s14 =	sshrl.u32 s14, $0x2  }
0x37: {  	s14 =	sor.u32 $0x300, s14  }
0x38: {  	[tilespmem:s14], [sflag:$0x1] =	stream.indirect_vreg.gather [hbm:s4], $0x80, v0, vm0, $0x38;
	[tilespmem:$0x18300] =	vst v63  }
0x39: {  	s17 =	sadd.s32 $0x10, s16;
	s15 =	sadd.s32 $0x400, s14  }
0x3a: {  	[tilespmem:s15], [sflag:$0x1] =	stream.indirect_vreg.gather [hbm:s4], $0x80, v0, vm1, $0x38;
	[tilespmem:$0x18300] =	vst v63  }
0x3b: {  	s18 =	simm.s32 $0x80;
	v0 =	vld.msk [tilespmem:s17+$0x0 ss:$0x1], $0xffff;
	s17 =	smov.u32 s14  }
.LBB2_3:
0x3c: {  	p1 =	sne.s32 s18, $0x5C0;
	_ =	sdelay $0x4  }
0x3d: {  	vm2 =	vgt.s32 v0, $0x0  }
0x3e: {  	v0 =	vnsel vm2, $0x0, v0  }
0x3f: {  	v0 =	vmin.u32 v0, $0x3BFF  }
0x40: {  	v0 =	vshll.u32 v0, $0x4;
	_ =	sdelay $0x3  }
.Ltmp3:
0x41: {  	s19 =	sshra.s32 s18, $0x2;
	s17 =	sadd.s32 $0x800, s17;
	(pc) =	sbr.rel @p1 .LBB2_3-.Ltmp3, $4  }
0x42: {  	[tilespmem:s17], [sflag:$0x1] =	stream.indirect_vreg.gather [hbm:s4], $0x80, v0, vm0, $0x38;
	[tilespmem:$0x18300] =	vst v63  }
0x43: {  	s19 =	sadd.s32 s19, s16;
	s20 =	sadd.s32 $0x400, s17  }
0x44: {  	[tilespmem:s20], [sflag:$0x1] =	stream.indirect_vreg.gather [hbm:s4], $0x80, v0, vm1, $0x38;
	[tilespmem:$0x18300] =	vst v63  }
0x45: {  	s18 =	sadd.s32 $0x40, s18;
	v0 =	vld.msk [tilespmem:s19+$0x0 ss:$0x1], $0xffff  }
0x46: {  	_ =	sdelay $0x3  }
0x47: {  	vm2 =	vgt.s32 v0, $0x0  }
0x48: {  	v0 =	vnsel vm2, $0x0, v0  }
0x49: {  	v0 =	vmin.u32 v0, $0x3BFF  }
0x4a: {  	v0 =	vshll.u32 v0, $0x4;
	_ =	sdelay $0x3  }
0x4b: {  	s16 =	sadd.s32 $0x800, s17  }
0x4c: {  	[tilespmem:s16], [sflag:$0x1] =	stream.indirect_vreg.gather [hbm:s4], $0x80, v0, vm0, $0x38;
	[tilespmem:$0x18300] =	vst v63  }
0x4d: {  	s16 =	sadd.s32 $0x400, s16  }
0x4e: {  	[tilespmem:s16], [sflag:$0x1] =	stream.indirect_vreg.gather [hbm:s4], $0x80, v0, vm1, $0x38;
	[tilespmem:$0x18300] =	vst v63  }
0x4f: {  	s13 =	sshll.u32 s13, $0x4;
	_ =	swait.ge [sflag:s6], $0xC000  }
0x50: {  	s13 =	sadd.s32 s13, s9;
	[sflag:s6] =	ssyncset.done $0x0  }
0x51: {  	s17 =	sadd.s32 $0x0, s13;
	s16 =	simm.s32 $0x80;
	[sflag:s6] =	ssyncadd.s32 $0xFFFF4000  }
.LBB2_5:
0x52: {  	[hbm:s17] =	stream.linear.scatter [tilespmem:s14], [sflag:$0x3], $0x400, $0x38;
	[tilespmem:$0x18300] =	vst v63  }
0x53: {  	s17 =	smov.u32 s16;
	s14 =	smov.u32 s15;
	p1 =	sne.s32 s16, $0x1780  }
.Ltmp4:
0x54: {  	s16 =	sadd.s32 $0x80, s16;
	(pc) =	sbr.rel @p1 .LBB2_5-.Ltmp4, $2  }
0x55: {  	_ =	sdelay $0x2  }
0x56: {  	s15 =	sadd.s32 $0x400, s15;
	s17 =	sadd.s32 s17, s13  }
.Ltmp5:
0x57: {  	_ = 	snop;
	(pc) =	sbr.rel .LBB2_6-.Ltmp5, $1  }
0x58: {  	_ =	sdelay $0x3  }
.LBB2_8:
0x59: {  	_ =	sfence.sel $0x180000  }
0x5a: {  	s2 =	simm.s32 $0x2;
	[bflag:$0x0] =	sbarrier.arrive $0xFFFF  }
0x5b: {  	s30 =	simm.s32 $0x3;
	[sflag:s2] =	ssyncpa.u1 $0x1  }
0x5c: {  	s31 =	simm.s32 $0x1;
	[sflag:s30] =	ssyncpa.u1 $0x1  }
0x5d: {  	[sflag:s31] =	ssyncpa.u1 $0x1  }
0x5e: {  	p0 =	sne.s32 s0, $0x0;
	_ =	strace $0x9000004A  }
0x5f: {  	s0 =	sadd.s32 @!p0 $0x100000, s1;
	[bflag:$0x2] =	sbarrier.arrive $0xFFFF  }
0x60: {  	[sflag:s0] =	ssyncadd.tile.s32 @!p0 $0x1;
	_ =	shalt  }
.Lfunc_end2:
_tile_overlayer_lowered:
.L_overlay_start_2:
0x61: {  	(tag) =	ssettag $0x2  }
0x62: {  	s0 =	rddreg [dreg:$0x0];
	s2 =	stileid.u32  }
0x63: {  	s1 =	rddreg [dreg:$0x1];
	p0 =	sne.s32 s2, $0x0  }
0x64: {  	s3 =	rddreg [dreg:$0x2];
	[bflag:$0x3] =	sbarrier.arrive $0xFFFF;
	s2 =	simm.s32 @!p0 $0x1C01  }
0x65: {  	[timem:s3], [sflag:s2] =	dma.local @!p0 [hbm:s0], s1  }
0x66: {  	s0 =	simm.s32 @!p0 $0x1  }
0x67: {  	_ =	swait.ge @!p0 [sflag:s0], s1  }
0x68: {  	s1 =	ssub.s32 @!p0 $0x0, s1;
	[sflag:s0] =	ssyncset.done @!p0 $0x0  }
0x69: {  	[sflag:s0] =	ssyncadd.s32 @!p0 s1  }
0x6a: {  	[bflag:$0x3] =	sbarrier.arrive $0xFFFF  }
0x6b: {  	_ =	shalt  }

// kernel: gather_offload_async_start
scs
__scs_entry_jumppad:
0x0: {  	(pc) =	sbr.rel $0x88, $3  }
0x1: {  	(tag) =	ssettag $0x0;
	lr =	simm.s32 $0x1  }
0x2: {  	[smem:$0x3F9E] =	sst lr;
	_ =	strace $0xD0000000  }
0x3: {  	_ = 	snop  }
0x4: {  	_ = 	snop  }
0x5: {  	_ = 	snop  }
0x6: {  	_ = 	snop  }
0x7: {  	_ = 	snop  }
__scs_overlays_trampoline_lowered:
0x8: {  	[smem:$0x3FAD] =	sst s0  }
0x9: {  	[smem:$0x3FAE] =	sst s1  }
0xa: {  	[smem:$0x3FAF] =	sst s2  }
0xb: {  	[smem:$0x3FB0] =	sst s3  }
0xc: {  	[smem:$0x3FB1] =	sst s4  }
0xd: {  	[smem:$0x3FB2] =	sst s5  }
0xe: {  	[smem:$0x3FB3] =	sst s6  }
0xf: {  	[smem:$0x3FB4] =	sst s7  }
0x10: {  	[smem:$0x3FB5] =	sst s8  }
0x11: {  	[smem:$0x3FB6] =	sst s9;
	s0 =	simm.s32 @!p0 $0x0  }
0x12: {  	s1 =	sld [smem:$0x3F9C];
	s0 =	simm.s32 @p0 $0x1  }
0x13: {  	[smem:$0x3FB7] =	sst s0;
	s0 =	simm.s32 @!p1 $0x0  }
0x14: {  	s2 =	sld [smem:$0x3F9B];
	s0 =	simm.s32 @p1 $0x1  }
0x15: {  	[smem:$0x3FB8] =	sst s0;
	s0 =	simm.s32 @!p2 $0x0  }
0x16: {  	s3 =	sld [smem:$0x3FDB];
	s0 =	simm.s32 @p2 $0x1  }
0x17: {  	s4 =	simm.s32 $0x1BF5;
	[smem:$0x3FBA] =	sst s0  }
0x18: {  	s0 =	sld [smem:$0x3F9D];
	_ =	swait.ge [sflag:s4], $0x0  }
0x19: {  	s7 =	sld [smem:$0x3F9E]  }
0x1a: {  	s8 =	sadd.s32 $0xFFFFE003, lr  }
0x1b: {  	s9 =	sadd.s32 $0xFFFFFEF7, lr;
	s5 =	simm.s32 $0xFFFFFFFF;
	p2 =	slt.u32 s8, $0xFFFFF086  }
0x1c: {  	p1 =	slt.u32 s9, $0xF7A;
	s5 =	simm.s32 @!p2 $0x0  }
0x1d: {  	s5 =	simm.s32 @p1 $0x1;
	p0 =	seq.s32 s7, s2  }
0x1e: {  	s7 =	smul.u32 @!p0 $0xF7A, s2;
	p2 =	seq.s32 @!p0 s5, $0x0  }
0x1f: {  	s9 =	smul.u32 $0xF7A, s1;
	s8 =	simm.s32 @!p0 $0x1BF5;
	p2 =	por !p2, p0  }
0x20: {  	[sflag:s8] =	ssyncset.s32 @!p0 $0xFFFFF086;
	s6 =	sadd.s32 @!p0 s3, s7;
	s7 =	simm.s32 @!p0 $0x108  }
0x21: {  	s3 =	sadd.s32 s3, s9;
	s6 =	sadd.s32 @!p0 $0x88, s6;
	s7 =	simm.s32 @p2 $0x1082  }
0x22: {  	[simem:s7], [sflag:s8] =	dma.local @!p0 [hbm:s6], $0xF7A  }
0x23: {  	s9 =	sor.u32 $0xD0000000, s2;
	s6 =	simm.s32 $0x108;
	_ =	swait.ge @!p0 [sflag:s8], $0x0  }
0x24: {  	s3 =	sadd.s32 $0x88, s3;
	s6 =	simm.s32 @!p1 $0x1082;
	[sflag:s4] =	ssyncset.s32 $0xFFFFF086  }
0x25: {  	[simem:s6], [sflag:s4] =	dma.local [hbm:s3], $0xF7A  }
0x26: {  	[smem:$0x3F9E] =	sst s1;
	(tag) =	ssettag s2;
	_ =	strace s9  }
0x27: {  	s1 =	sld [smem:$0x3FAE]  }
0x28: {  	s2 =	sld [smem:$0x3FAF]  }
0x29: {  	s4 =	sld [smem:$0x3FB1]  }
0x2a: {  	p0 =	seq.s32 s5, $0x0;
	s5 =	sld [smem:$0x3FB2]  }
0x2b: {  	s6 =	sld [smem:$0x3FB3]  }
0x2c: {  	s7 =	sld [smem:$0x3FB4]  }
0x2d: {  	s3 =	simm.s32 $0x108;
	s8 =	sld [smem:$0x3FB5]  }
0x2e: {  	s3 =	simm.s32 @!p0 $0x1082;
	s9 =	sld [smem:$0x3FB6]  }
0x2f: {  	lr =	sadd.s32 s0, s3;
	s0 =	sld [smem:$0x3FAD]  }
0x30: {  	s3 =	sld [smem:$0x3FB0]  }
0x31: {  	[smem:$0x3FB9] =	sst s10  }
0x32: {  	s10 =	sld [smem:$0x3FB7];
	_ =	sdelay $0x3  }
0x33: {  	p0 =	seq.s32 s10, $0x1;
	s10 =	sld [smem:$0x3FB9];
	_ =	sdelay $0x3  }
0x34: {  	[smem:$0x3FB9] =	sst s10  }
0x35: {  	s10 =	sld [smem:$0x3FB8];
	_ =	sdelay $0x3  }
0x36: {  	p1 =	seq.s32 s10, $0x1;
	s10 =	sld [smem:$0x3FB9];
	_ =	sdelay $0x3  }
0x37: {  	[smem:$0x3FB9] =	sst s10  }
0x38: {  	s10 =	sld [smem:$0x3FBA]  }
0x39: {  	_ = 	snop;
	(pc) =	sbr.ind lr, $3  }
0x3a: {  	_ = 	snop  }
0x3b: {  	_ = 	snop  }
0x3c: {  	p2 =	seq.s32 s10, $0x1;
	s10 =	sld [smem:$0x3FB9]  }
0x3d: {  	_ =	shalt  }
0x3e: {  	_ =	shalt  }
0x3f: {  	_ =	shalt  }
0x40: {  	_ =	shalt  }
0x41: {  	_ =	shalt  }
0x42: {  	_ =	shalt  }
0x43: {  	_ =	shalt  }
0x44: {  	_ =	shalt  }
0x45: {  	_ =	shalt  }
0x46: {  	_ =	shalt  }
0x47: {  	_ =	shalt  }
0x48: {  	_ =	shalt  }
0x49: {  	_ =	shalt  }
0x4a: {  	_ =	shalt  }
0x4b: {  	_ =	shalt  }
0x4c: {  	_ =	shalt  }
0x4d: {  	_ =	shalt  }
0x4e: {  	_ =	shalt  }
0x4f: {  	_ =	shalt  }
0x50: {  	_ =	shalt  }
0x51: {  	_ =	shalt  }
0x52: {  	_ =	shalt  }
0x53: {  	_ =	shalt  }
0x54: {  	_ =	shalt  }
0x55: {  	_ =	shalt  }
0x56: {  	_ =	shalt  }
0x57: {  	_ =	shalt  }
0x58: {  	_ =	shalt  }
0x59: {  	_ =	shalt  }
0x5a: {  	_ =	shalt  }
0x5b: {  	_ =	shalt  }
0x5c: {  	_ =	shalt  }
0x5d: {  	_ =	shalt  }
0x5e: {  	_ =	shalt  }
0x5f: {  	_ =	shalt  }
0x60: {  	_ =	shalt  }
0x61: {  	_ =	shalt  }
0x62: {  	_ =	shalt  }
0x63: {  	_ =	shalt  }
0x64: {  	_ =	shalt  }
0x65: {  	_ =	shalt  }
0x66: {  	_ =	shalt  }
0x67: {  	_ =	shalt  }
0x68: {  	_ =	shalt  }
0x69: {  	_ =	shalt  }
0x6a: {  	_ =	shalt  }
0x6b: {  	_ =	shalt  }
0x6c: {  	_ =	shalt  }
0x6d: {  	_ =	shalt  }
0x6e: {  	_ =	shalt  }
0x6f: {  	_ =	shalt  }
0x70: {  	_ =	shalt  }
0x71: {  	_ =	shalt  }
0x72: {  	_ =	shalt  }
0x73: {  	_ =	shalt  }
0x74: {  	_ =	shalt  }
0x75: {  	_ =	shalt  }
0x76: {  	_ =	shalt  }
0x77: {  	_ =	shalt  }
0x78: {  	_ =	shalt  }
0x79: {  	_ =	shalt  }
0x7a: {  	_ =	shalt  }
0x7b: {  	_ =	shalt  }
0x7c: {  	_ =	shalt  }
0x7d: {  	_ =	shalt  }
0x7e: {  	_ =	shalt  }
0x7f: {  	_ =	shalt  }
0x80: {  	_ =	shalt  }
0x81: {  	_ =	shalt  }
0x82: {  	_ =	shalt  }
0x83: {  	_ =	shalt  }
0x84: {  	_ =	shalt  }
0x85: {  	_ =	shalt  }
0x86: {  	_ =	shalt  }
0x87: {  	_ =	shalt  }
.Lfunc_end0:
.L_simem_size_0:
called_computation_lowered:
.L_overlay_start_0:
0x88: {  	s2 =	sld [smem:$0x3FD9]  }
0x89: {  	s3 =	sld [smem:$0x3FFE];
	_ =	sdelay $0x1  }
0x8a: {  	s1 =	srdreg.scid  }
0x8b: {  	s0 =	sand.u32 $0x1, s1  }
0x8c: {  	s17 =	sshll.u32 s0, $0xA;
	s2 =	sadd.s32 s3, s2  }
0x8d: {  	s2 =	sadd.s32 s2, s17  }
0x8e: {  	[smem:$0x3FC5] =	sst s2  }
0x8f: {  	_ = 	snop  }
0x90: {  	s2 =	sld [smem:$0x3FD0];
	(tm) =	ssettm $0x1  }
0x91: {  	s18 =	sld [smem:$0x3FFB];
	_ =	sdelay $0x3  }
0x92: {  	_ =	strace s18  }
0x93: {  	s3 =	sld [smem:$0x3FFC];
	_ =	sdelay $0x3  }
0x94: {  	_ =	strace s3  }
0x95: {  	s3 =	sld [smem:$0x3FFD];
	_ =	sdelay $0x3  }
0x96: {  	_ =	strace s3  }
0x97: {  	_ =	strace $0x8FFFFFFF  }
0x98: {  	s19 =	sld [smem:$0x3FDB];
	_ =	sdelay $0x1  }
0x99: {  	s4 =	simm.s32 $_scs_section_size  }
0x9a: {  	s5 =	simm.s32 $_size__tile_overlayer_lowered;
	s6 =	simm.s32 $_tile_overlayer_lowered  }
0x9b: {  	s22 =	simm.s32 $0x1BFF;
	s21 =	sshll.u32 s6, $0x1;
	s3 =	sadd.s32 s4, s19  }
0x9c: {  	s7 =	simm.s32 $0x0;
	s20 =	sshll.u32 s5, $0x1;
	s5 =	sadd.s32 s21, s3  }
0x9d: {  	[timem:s7], [sflag:s22] =	dma.local [hbm:s5], s20  }
0x9e: {  	_ =	swait.ge [sflag:s22], s20  }
0x9f: {  	s4 =	ssub.s32 $0x0, s20;
	[sflag:s22] =	ssyncset.done $0x0  }
0xa0: {  	[sflag:s22] =	ssyncadd.s32 s4;
	_ =	sdelay $0x1  }
0xa1: {  	s23 =	simm.s32 $0x1B8B  }
0xa2: {  	_ =	swait.ge [sflag:s23], $0x1  }
0xa3: {  	[sflag:s23] =	ssyncset.done $0x0  }
0xa4: {  	s25 =	simm.s32 $0x1B8E;
	s24 =	sld [smem:$0x3FFE];
	[sflag:s23] =	ssyncadd.s32 $0xFFFFFFFF  }
0xa5: {  	s26 =	simm.s32 $execute0_lowered;
	[smem:$0x3FD2] =	sst s25  }
0xa6: {  	s5 =	sshll.u32 s26, $0x1;
	_ =	strace $0x80000046;
	[dreg:$0x1] =	wrdreg $0xFFFFFFFF  }
0xa7: {  	s28 =	simm.s32 $_size_execute0_lowered;
	s3 =	sadd.s32 s3, s5;
	[dreg:$0x0] =	wrdreg $0x0  }
0xa8: {  	s5 =	sshll.u32 s28, $0x1;
	[dreg:$0x2] =	wrdreg s3  }
0xa9: {  	[dreg:$0x3] =	wrdreg s5  }
0xaa: {  	[dreg:$0x4] =	wrdreg $0xC0  }
0xab: {  	_ =	task [dreg:s7], $0x5FFFF  }
0xac: {  	[dreg:$0x1] =	wrdreg $0xFFFFFFFF  }
0xad: {  	[dreg:$0x0] =	wrdreg $0x60  }
0xae: {  	[dreg:$0x2] =	wrdreg s24  }
0xaf: {  	[dreg:$0x3] =	wrdreg s2  }
0xb0: {  	[dreg:$0x4] =	wrdreg $0x9  }
0xb1: {  	_ =	task.clear_ibuf [dreg:s7], $0x5FFFF;
	_ =	strace $0x90000046  }
0xb2: {  	s29 =	simm.s32 $0x9;
	_ =	strace $0x80000048  }
0xb3: {  	_ =	swait.ge [sflag:s29], $0x1  }
0xb4: {  	[sflag:s29] =	ssyncadd.s32 $0xFFFFFFFF  }
0xb5: {  	_ =	strace $0x90000048  }
0xb6: {  	_ =	sfence  }
0xb7: {  	s30 =	sld [smem:$0x0];
	_ =	sdelay $0x2  }
0xb8: {  	s31 =	sshll.u32 s1, $0xD;
	s1 =	sshrl.u32 s1, $0x2  }
0xb9: {  	s3 =	sand.u32 $0x4000, s31;
	s1 =	sadd.s32 s1, s30  }
0xba: {  	s0 =	sor.u32 s3, s0;
	s1 =	sshll.u32 s1, $0x11  }
0xbb: {  	s0 =	sor.u32 s1, s0  }
0xbc: {  	s0 =	sadd.s32 $0x8F2B, s0  }
0xbd: {  	[sflag:s0] =	ssyncadd.remote.s32 $0x1  }
0xbe: {  	_ =	sfence.sel $0xFFFF  }
0xbf: {  	[dreg:$0x0] =	wrdreg $0xFFFFFFFF;
	(pc) =	sbr.abs _section_cstart, $3  }
0xc0: {  	[dreg:$0x1] =	wrdreg $0xFFFFFFFF  }
0xc1: {  	_ =	task.clear_ibuf [dreg:s7], $0x2FFFF;
	_ =	strace $0x9FFFFFFF  }
0xc2: {  	(tm) =	ssettm $0x7FFFFFFF  }
0xc3: {  	_ =	shalt  }
tec
execute0_lowered:
.L_overlay_start_1:
0x0: {  	(tag) =	ssettag $0x1  }
0x1: {  	s0 =	srdreg.scid  }
0x2: {  	s1 =	sshll.u32 s0, $0x4  }
0x3: {  	s0 =	stileid.u32;
	s1 =	sand.u32 $0x10, s1  }
0x4: {  	s2 =	sor.u32 s0, s1  }
0x5: {  	s1 =	smin.u32 s2, $0x8  }
0x6: {  	s1 =	sadd.s32 s2, s1  }
0x7: {  	p0 =	slt.u32 s2, $0x8;
	s2 =	simm.s32 $0x300;
	s1 =	smul.u32 $0x180, s1  }
0x8: {  	s2 =	simm.s32 @!p0 $0x180  }
0x9: {  	s2 =	sadd.s32 s2, s1  }
0xa: {  	s3 =	smin.u32 s2, $0x3C00  }
0xb: {  	s7 =	ssub.s32 s3, s1  }
0xc: {  	p0 =	sgt.s32 s7, $0x0  }
0xd: {  	s7 =	simm.s32 @!p0 $0x0  }
0xe: {  	s4 =	rddreg [dreg:$0x0];
	s31 =	smul.u32 $0xAAAB, s7  }
0xf: {  	s5 =	rddreg [dreg:$0x1]  }
0x10: {  	s6 =	simm.s32 $0x1;
	s10 =	simm.s32 $0x3;
	s8 =	sshrl.u32 s31, $0x18  }
0x11: {  	s13 =	simm.s32 $0x0;
	s12 =	simm.s32 $0x0;
	s9 =	smul.u32 $0x180, s8  }
.Ltmp0:
0x12: {  	s11 =	smov.u32 s1;
	s2 =	rddreg [dreg:$0x2];
	(pc) =	sbr.rel .LBB2_1-.Ltmp0, $4  }
0x13: {  	_ =	strace $0x80000047;
	p0 =	sne.s32 s7, s9;
	s9 =	simm.s32 $0x1  }
0x14: {  	[sflag:s6] =	ssyncpa.u1 $0x0;
	s7 =	simm.s32 $0x2;
	s9 =	simm.s32 @!p0 $0x0  }
0x15: {  	[sflag:s7] =	ssyncpa.u1 $0x0;
	p0 =	por $0x0, $0x0;
	s8 =	sadd.s32 s8, s9  }
0x16: {  	vm0 =	vmmov $0xff;
	vm1 =	vcmask $0x3F20;
	s9 =	sadd.s32 $0x3C000, s4;
	[sflag:s10] =	ssyncpa.u1 $0x0;
	s10 =	sadd.s32 $0x1, s8  }
.LBB2_6:
0x17: {  	[hbm:s17] =	stream.linear.scatter [tilespmem:s14], [sflag:$0x3], $0x400, $0x38;
	[tilespmem:$0x18300] =	vst v63  }
.LBB2_7:
0x18: {  	s13 =	sadd.s32 $0x180, s11  }
0x19: {  	s15 =	smov.u32 s1;
	p2 =	slt.s32 s13, s3  }
0x1a: {  	s15 =	smov.u32 @p2 s13;
	p2 =	sne.s32 s12, s10  }
.Ltmp1:
0x1b: {  	p1 =	slt.u32 s12, $0x2;
	(pc) =	sbr.rel @!p2 .LBB2_8-.Ltmp1, $4  }
0x1c: {  	s14 =	simm.s32 @!p1 $0x3  }
0x1d: {  	s16 =	sadd.s32 $0x1, s12;
	_ =	swait.ge @!p1 [sflag:s14], $0xC000  }
0x1e: {  	p0 =	por !p0, !p0;
	s13 =	smov.u32 s11;
	[sflag:s14] =	ssyncset.done @!p1 $0x0  }
0x1f: {  	s12 =	smov.u32 s16;
	s11 =	smov.u32 s15;
	[sflag:s14] =	ssyncadd.s32 @!p1 $0xFFFF4000  }
.LBB2_1:
0x20: {  	p1 =	sge.u32 s12, s8  }
0x21: {  	s14 =	sxor.u32 @!p1 $0xFFFFFFFF, s12  }
0x22: {  	s14 =	sand.u32 @!p1 $0x1, s14  }
0x23: {  	s14 =	smul.u32 @!p1 $0x600, s14  }
0x24: {  	s31 =	sadd.s32 $0xFFFFFFFF, s12;
	s15 =	sshrl.u32 @!p1 s11, $0x3  }
0x25: {  	s16 =	sand.u32 @!p1 $0x7, s11;
	s15 =	sadd.s32 @!p1 s5, s15;
	s14 =	sshrl.u32 @!p1 s14, $0x2  }
0x26: {  	[tilespmem:s14], [sflag:$0x2] =	stream.linear.gather @!p1 [hbm4b:s15+s16], $0x180, $0x38;
	[tilespmem:$0x18300] =	vst v63  }
0x27: {  	p1 =	sge.u32 s31, s8  }
.Ltmp2:
0x28: {  	_ = 	snop;
	(pc) =	sbr.rel @p1 .LBB2_7-.Ltmp2, $1  }
0x29: {  	_ =	sdelay $0x3  }
0x2a: {  	s14 =	simm.s32 $0x1  }
0x2b: {  	s14 =	simm.s32 @!p0 $0x0  }
0x2c: {  	s15 =	smul.u32 $0x600, s14  }
0x2d: {  	_ =	swait.ge [sflag:s7], $0x180  }
0x2e: {  	[sflag:s7] =	ssyncset.done $0x0;
	s16 =	sshrl.u32 s15, $0x2  }
0x2f: {  	[sflag:s7] =	ssyncadd.s32 $0xFFFFFE80;
	s15 =	sadd.s32 $0x0, s16  }
0x30: {  	v0 =	vld.msk [tilespmem:s15+$0x0 ss:$0x1], $0xffff;
	_ =	sdelay $0x4  }
0x31: {  	vm2 =	vgt.s32 v0, $0x0  }
0x32: {  	v0 =	vnsel vm2, $0x0, v0  }
0x33: {  	v0 =	vmin.u32 v0, $0x3BFF  }
0x34: {  	v0 =	vshll.u32 v0, $0x4  }
0x35: {  	s14 =	smul.u32 $0x30000, s14;
	_ =	sdelay $0x1  }
0x36: {  	s14 =	sshrl.u32 s14, $0x2  }
0x37: {  	s14 =	sor.u32 $0x300, s14  }
0x38: {  	[tilespmem:s14], [sflag:$0x1] =	stream.indirect_vreg.gather [hbm:s4], $0x80, v0, vm0, $0x38;
	[tilespmem:$0x18300] =	vst v63  }
0x39: {  	s17 =	sadd.s32 $0x10, s16;
	s15 =	sadd.s32 $0x400, s14  }
0x3a: {  	[tilespmem:s15], [sflag:$0x1] =	stream.indirect_vreg.gather [hbm:s4], $0x80, v0, vm1, $0x38;
	[tilespmem:$0x18300] =	vst v63  }
0x3b: {  	s18 =	simm.s32 $0x80;
	v0 =	vld.msk [tilespmem:s17+$0x0 ss:$0x1], $0xffff;
	s17 =	smov.u32 s14  }
.LBB2_3:
0x3c: {  	p1 =	sne.s32 s18, $0x5C0;
	_ =	sdelay $0x4  }
0x3d: {  	vm2 =	vgt.s32 v0, $0x0  }
0x3e: {  	v0 =	vnsel vm2, $0x0, v0  }
0x3f: {  	v0 =	vmin.u32 v0, $0x3BFF  }
0x40: {  	v0 =	vshll.u32 v0, $0x4;
	_ =	sdelay $0x3  }
.Ltmp3:
0x41: {  	s19 =	sshra.s32 s18, $0x2;
	s17 =	sadd.s32 $0x800, s17;
	(pc) =	sbr.rel @p1 .LBB2_3-.Ltmp3, $4  }
0x42: {  	[tilespmem:s17], [sflag:$0x1] =	stream.indirect_vreg.gather [hbm:s4], $0x80, v0, vm0, $0x38;
	[tilespmem:$0x18300] =	vst v63  }
0x43: {  	s19 =	sadd.s32 s19, s16;
	s20 =	sadd.s32 $0x400, s17  }
0x44: {  	[tilespmem:s20], [sflag:$0x1] =	stream.indirect_vreg.gather [hbm:s4], $0x80, v0, vm1, $0x38;
	[tilespmem:$0x18300] =	vst v63  }
0x45: {  	s18 =	sadd.s32 $0x40, s18;
	v0 =	vld.msk [tilespmem:s19+$0x0 ss:$0x1], $0xffff  }
0x46: {  	_ =	sdelay $0x3  }
0x47: {  	vm2 =	vgt.s32 v0, $0x0  }
0x48: {  	v0 =	vnsel vm2, $0x0, v0  }
0x49: {  	v0 =	vmin.u32 v0, $0x3BFF  }
0x4a: {  	v0 =	vshll.u32 v0, $0x4;
	_ =	sdelay $0x3  }
0x4b: {  	s16 =	sadd.s32 $0x800, s17  }
0x4c: {  	[tilespmem:s16], [sflag:$0x1] =	stream.indirect_vreg.gather [hbm:s4], $0x80, v0, vm0, $0x38;
	[tilespmem:$0x18300] =	vst v63  }
0x4d: {  	s16 =	sadd.s32 $0x400, s16  }
0x4e: {  	[tilespmem:s16], [sflag:$0x1] =	stream.indirect_vreg.gather [hbm:s4], $0x80, v0, vm1, $0x38;
	[tilespmem:$0x18300] =	vst v63  }
0x4f: {  	s13 =	sshll.u32 s13, $0x4;
	_ =	swait.ge [sflag:s6], $0xC000  }
0x50: {  	s13 =	sadd.s32 s13, s9;
	[sflag:s6] =	ssyncset.done $0x0  }
0x51: {  	s17 =	sadd.s32 $0x0, s13;
	s16 =	simm.s32 $0x80;
	[sflag:s6] =	ssyncadd.s32 $0xFFFF4000  }
.LBB2_5:
0x52: {  	[hbm:s17] =	stream.linear.scatter [tilespmem:s14], [sflag:$0x3], $0x400, $0x38;
	[tilespmem:$0x18300] =	vst v63  }
0x53: {  	s17 =	smov.u32 s16;
	s14 =	smov.u32 s15;
	p1 =	sne.s32 s16, $0x1780  }
.Ltmp4:
0x54: {  	s16 =	sadd.s32 $0x80, s16;
	(pc) =	sbr.rel @p1 .LBB2_5-.Ltmp4, $2  }
0x55: {  	_ =	sdelay $0x2  }
0x56: {  	s15 =	sadd.s32 $0x400, s15;
	s17 =	sadd.s32 s17, s13  }
.Ltmp5:
0x57: {  	_ = 	snop;
	(pc) =	sbr.rel .LBB2_6-.Ltmp5, $1  }
0x58: {  	_ =	sdelay $0x3  }
.LBB2_8:
0x59: {  	_ =	sfence.sel $0x180000  }
0x5a: {  	s1 =	simm.s32 $0x2;
	[bflag:$0x0] =	sbarrier.arrive $0xFFFF  }
0x5b: {  	s30 =	simm.s32 $0x3;
	[sflag:s1] =	ssyncpa.u1 $0x1  }
0x5c: {  	s31 =	simm.s32 $0x1;
	[sflag:s30] =	ssyncpa.u1 $0x1  }
0x5d: {  	[sflag:s31] =	ssyncpa.u1 $0x1  }
0x5e: {  	p0 =	sne.s32 s0, $0x0;
	_ =	strace $0x90000047  }
0x5f: {  	s0 =	sadd.s32 @!p0 $0x100000, s2;
	[bflag:$0x2] =	sbarrier.arrive $0xFFFF  }
0x60: {  	[sflag:s0] =	ssyncadd.tile.s32 @!p0 $0x1;
	_ =	shalt  }
.Lfunc_end2:
_tile_overlayer_lowered:
.L_overlay_start_2:
0x61: {  	(tag) =	ssettag $0x2  }
0x62: {  	s0 =	rddreg [dreg:$0x0];
	s2 =	stileid.u32  }
0x63: {  	s1 =	rddreg [dreg:$0x1];
	p0 =	sne.s32 s2, $0x0  }
0x64: {  	s3 =	rddreg [dreg:$0x2];
	[bflag:$0x3] =	sbarrier.arrive $0xFFFF;
	s2 =	simm.s32 @!p0 $0x1C01  }
0x65: {  	[timem:s3], [sflag:s2] =	dma.local @!p0 [hbm:s0], s1  }
0x66: {  	s0 =	simm.s32 @!p0 $0x1  }
0x67: {  	_ =	swait.ge @!p0 [sflag:s0], s1  }
0x68: {  	s1 =	ssub.s32 @!p0 $0x0, s1;
	[sflag:s0] =	ssyncset.done @!p0 $0x0  }
0x69: {  	[sflag:s0] =	ssyncadd.s32 @!p0 s1  }
0x6a: {  	[bflag:$0x3] =	sbarrier.arrive $0xFFFF  }
0x6b: {  	_ =	shalt  }

</sc_bundles>
